<compile_context>
chip_gen: v7x
topology: tpu7x:2x2x1
jax: 0.10.2.dev20260603
libtpu: 0.0.44.dev20260713+nightly
codegen_flags: <defaults>
</compile_context>

<pallas_src>
import functools

import jax
import jax.numpy as jnp
from jax import lax
from jax.experimental import pallas as pl
from jax.experimental.pallas import tpu as pltpu
from jax.experimental.pallas import tpu_sc as plsc

N = 10000
E = 320000
D = 128
DOUT = 256

NPAD = 10240
NW = 32
CH = 64
K = 157
EPAD = NW * K * CH
ROWS_PER_TILE = NPAD // 16
NBUF = 3
ZROWS = 32

_mesh_kw = dict(core_axis_name="c", subcore_axis_name="s",
                num_cores=2, num_subcores=16)


def _count_body(dst_hbm, cnt_hbm, idx_v, buf_v, cnt_sh, sem):
    c = lax.axis_index("c")
    s = lax.axis_index("s")
    w = c * 16 + s

    def _zero_row(i, _):
        buf_v[i, :] = jnp.zeros((16,), jnp.float32)
        return 0

    lax.fori_loop(0, ROWS_PER_TILE, _zero_row, 0)
    pltpu.sync_copy(buf_v, cnt_sh.at[pl.ds(s * ROWS_PER_TILE, ROWS_PER_TILE)])

    pltpu.sync_copy(dst_hbm.at[w], idx_v)

    def _one_row(i, _):
        buf_v[i, :] = jnp.ones((16,), jnp.float32)
        return 0

    lax.fori_loop(0, CH, _one_row, 0)

    plsc.subcore_barrier()

    def _body(j, _):
        pltpu.async_copy(buf_v.at[pl.ds(0, CH)], cnt_sh.at[idx_v.at[j]],
                         sem, add=True)
        return 0

    lax.fori_loop(0, K, _body, 0)

    def _drain(j, _):
        pltpu.make_async_copy(buf_v.at[pl.ds(0, CH)],
                              cnt_sh.at[idx_v.at[j]], sem).wait()
        return 0

    lax.fori_loop(0, K, _drain, 0)

    plsc.subcore_barrier()

    pltpu.sync_copy(
        cnt_sh.at[pl.ds(s * ROWS_PER_TILE, ROWS_PER_TILE)],
        cnt_hbm.at[c, pl.ds(s * ROWS_PER_TILE, ROWS_PER_TILE)],
    )


def _agg_body(src_hbm, dst_hbm, hp_hbm, acc_hbm,
              sidx, didx, rows, zbuf, acc_sh, gsem, ssem):
    c = lax.axis_index("c")
    s = lax.axis_index("s")
    w = c * 16 + s

    def _zero_row(i, _):
        def _zero_lane(jj, _):
            zbuf[i, pl.ds(jj * 16, 16)] = jnp.zeros((16,), jnp.float32)
            return 0
        lax.fori_loop(0, D // 16, _zero_lane, 0)
        return 0

    lax.fori_loop(0, ZROWS, _zero_row, 0)

    def _zero_acc(k, _):
        pltpu.async_copy(
            zbuf, acc_sh.at[pl.ds(s * ROWS_PER_TILE + k * ZROWS, ZROWS)],
            gsem)
        return 0

    lax.fori_loop(0, ROWS_PER_TILE // ZROWS, _zero_acc, 0)

    pltpu.sync_copy(src_hbm.at[w], sidx)
    pltpu.sync_copy(dst_hbm.at[w], didx)

    def _zero_drain(k, _):
        pltpu.make_async_copy(
            zbuf, acc_sh.at[pl.ds(s * ROWS_PER_TILE + k * ZROWS, ZROWS)],
            gsem).wait()
        return 0

    lax.fori_loop(0, ROWS_PER_TILE // ZROWS, _zero_drain, 0)
    plsc.subcore_barrier()

    for q in range(NBUF - 1):
        pltpu.async_copy(hp_hbm.at[sidx.at[q]], rows.at[q], gsem)

    def _body(j, _):
        b = lax.rem(j, NBUF)
        pltpu.make_async_copy(hp_hbm.at[sidx.at[j]], rows.at[b],
                              gsem).wait()
        pltpu.async_copy(rows.at[b], acc_sh.at[didx.at[j]], ssem,
                         add=True)

        @pl.when(j >= 1)
        def _():
            pltpu.make_async_copy(rows.at[lax.rem(j - 1, NBUF)],
                                  acc_sh.at[didx.at[j - 1]], ssem).wait()

        @pl.when(j < K - (NBUF - 1))
        def _():
            pltpu.async_copy(hp_hbm.at[sidx.at[j + NBUF - 1]],
                             rows.at[lax.rem(j + NBUF - 1, NBUF)], gsem)

        return 0

    lax.fori_loop(0, K, _body, 0)
    pltpu.make_async_copy(rows.at[(K - 1) % NBUF],
                          acc_sh.at[didx.at[K - 1]], ssem).wait()
    plsc.subcore_barrier()

    pltpu.sync_copy(
        acc_sh.at[pl.ds(s * ROWS_PER_TILE, ROWS_PER_TILE)],
        acc_hbm.at[c, pl.ds(s * ROWS_PER_TILE, ROWS_PER_TILE)],
    )


@functools.cache
def _sc_kernels():
    mesh = plsc.VectorSubcoreMesh(**_mesh_kw)
    count_kernel = pl.kernel(
        _count_body,
        out_type=jax.ShapeDtypeStruct((2, NPAD, 16), jnp.float32),
        mesh=mesh,
        compiler_params=pltpu.CompilerParams(use_tc_tiling_on_sc=False),
        scratch_types=[
            pltpu.VMEM((K, CH), jnp.int32),
            pltpu.VMEM((ROWS_PER_TILE, 16), jnp.float32),
            pltpu.VMEM_SHARED((NPAD, 16), jnp.float32),
            pltpu.SemaphoreType.DMA,
        ],
    )
    agg_kernel = pl.kernel(
        _agg_body,
        out_type=jax.ShapeDtypeStruct((2, NPAD, D), jnp.float32),
        mesh=mesh,
        compiler_params=pltpu.CompilerParams(use_tc_tiling_on_sc=False),
        scratch_types=[
            pltpu.VMEM((K, CH), jnp.int32),
            pltpu.VMEM((K, CH), jnp.int32),
            pltpu.VMEM((NBUF, CH, D), jnp.float32),
            pltpu.VMEM((ZROWS, D), jnp.float32),
            pltpu.VMEM_SHARED((NPAD, D), jnp.float32),
            pltpu.SemaphoreType.DMA,
            pltpu.SemaphoreType.DMA,
        ],
    )
    return count_kernel, agg_kernel


def _dense1_body(x_ref, w1_ref, cnt_ref, hp_ref, dis_ref):
    deg = cnt_ref[0][:, 0:1] + cnt_ref[1][:, 0:1] + 1.0
    dis = lax.rsqrt(deg)
    h = jnp.dot(x_ref[...], w1_ref[...], preferred_element_type=jnp.float32)
    hp_ref[...] = h * dis
    dis_ref[...] = dis


def _dense1(x_pad, W1, cnt):
    bs = 1024
    grid = NPAD // bs
    return pl.pallas_call(
        _dense1_body,
        grid=(grid,),
        in_specs=[
            pl.BlockSpec((bs, D), lambda i: (i, 0)),
            pl.BlockSpec((D, D), lambda i: (0, 0)),
            pl.BlockSpec((2, bs, 16), lambda i: (0, i, 0)),
        ],
        out_specs=[
            pl.BlockSpec((bs, D), lambda i: (i, 0)),
            pl.BlockSpec((bs, 1), lambda i: (i, 0)),
        ],
        out_shape=[
            jax.ShapeDtypeStruct((NPAD, D), jnp.float32),
            jax.ShapeDtypeStruct((NPAD, 1), jnp.float32),
        ],
    )(x_pad, W1, cnt)


def _dense2_body(acc_ref, hp_ref, dis_ref, b1_ref, gamma_ref,
                 beta_ref, w2_ref, b2_ref, out_ref):
    agg = acc_ref[0] + acc_ref[1]
    g = (agg + hp_ref[...]) * dis_ref[...]
    z = jnp.maximum(g + b1_ref[...], 0.0)
    mu = jnp.mean(z, axis=-1, keepdims=True)
    zc = z - mu
    var = jnp.mean(zc * zc, axis=-1, keepdims=True)
    zn = zc * lax.rsqrt(var + 1e-5) * gamma_ref[...] + beta_ref[...]
    y = jnp.dot(zn, w2_ref[...], preferred_element_type=jnp.float32)
    out_ref[...] = jnp.maximum(y + b2_ref[...], 0.0)


def _dense2(acc, hp, dis, b1, gamma, beta, W2, b2):
    bs = 512
    grid = NPAD // bs
    return pl.pallas_call(
        _dense2_body,
        grid=(grid,),
        in_specs=[
            pl.BlockSpec((2, bs, D), lambda i: (0, i, 0)),
            pl.BlockSpec((bs, D), lambda i: (i, 0)),
            pl.BlockSpec((bs, 1), lambda i: (i, 0)),
            pl.BlockSpec((D,), lambda i: (0,)),
            pl.BlockSpec((D,), lambda i: (0,)),
            pl.BlockSpec((D,), lambda i: (0,)),
            pl.BlockSpec((D, DOUT), lambda i: (0, 0)),
            pl.BlockSpec((DOUT,), lambda i: (0,)),
        ],
        out_specs=pl.BlockSpec((bs, DOUT), lambda i: (i, 0)),
        out_shape=jax.ShapeDtypeStruct((NPAD, DOUT), jnp.float32),
    )(acc, hp, dis, b1, gamma, beta, W2, b2)


def kernel(x, edge_index, W1, b1, gamma, beta, W2, b2):
    ei = edge_index.astype(jnp.int32)
    src = ei[0]
    dst = ei[1]
    pad = EPAD - E
    src3 = jnp.concatenate(
        [src, jnp.zeros((pad,), jnp.int32)]).reshape(NW, K, CH)
    trash = N + jax.lax.rem(jnp.arange(pad, dtype=jnp.int32),
                            jnp.int32(NPAD - N))
    dst3 = jnp.concatenate([dst, trash]).reshape(NW, K, CH)
    x_pad = jnp.pad(x, ((0, NPAD - N), (0, 0)))

    count_kernel, agg_kernel = _sc_kernels()
    cnt = count_kernel(dst3)
    hp, dis = _dense1(x_pad, W1, cnt)
    acc = agg_kernel(src3, dst3, hp)
    out = _dense2(acc, hp, dis, b1, gamma, beta, W2, b2)
    return (out[:N], edge_index)

# --- scband reference (transcript-rebuilt; emitter-appended) ---
"""Pipeline reference for scband-gcn-89172111000348 (READ-ONLY COPY).

The authoritative reference and input builder live on the scoring server;
editing this copy changes nothing except your own understanding.
"""

import jax, jax.numpy as jnp
import numpy as np

N_NODES = 10000
N_EDGES = 320000
D_IN = 128
D_HID = 128

def setup_inputs(seed: int = 0) -> dict:
    key = jax.random.key(seed)
    ks = jax.random.split(key, 8)
    x = jax.random.normal(ks[0], (N_NODES, D_IN), dtype=jnp.float32)
    edge_index = jax.random.randint(ks[1], (2, N_EDGES), 0, N_NODES, dtype=jnp.int64)
    W1 = jax.random.normal(ks[2], (D_IN, D_HID), dtype=jnp.float32) * (1.0 / np.sqrt(D_IN))
    b1 = jnp.zeros((D_HID,), dtype=jnp.float32)
    gamma = jnp.ones((D_HID,), dtype=jnp.float32)
    beta = jnp.zeros((D_HID,), dtype=jnp.float32)
    W2 = jax.random.normal(ks[3], (D_HID, 2 * D_IN), dtype=jnp.float32) * (1.0 / np.sqrt(D_HID))
    b2 = jnp.zeros((2 * D_IN,), dtype=jnp.float32)
    return {"x": x, "edge_index": edge_index, "W1": W1, "b1": b1, "gamma": gamma, "beta": beta, "W2": W2, "b2": b2}

def reference(x, edge_index, W1, b1, gamma, beta, W2, b2):
    N = x.shape[0]
    loops = jnp.arange(N, dtype=edge_index.dtype)
    src = jnp.concatenate([edge_index[0], loops])
    dst = jnp.concatenate([edge_index[1], loops])
    # GCN symmetric normalization (PyG gcn_norm with add_self_loops=True)
    deg = jax.ops.segment_sum(jnp.ones(src.shape[0], dtype=x.dtype), dst, num_segments=N)
    deg_inv_sqrt = jnp.where(deg > 0, 1.0 / jnp.sqrt(deg), 0.0)
    norm = deg_inv_sqrt[src] * deg_inv_sqrt[dst]
    # GCNConv: aggregate normalized transformed messages
    h = x @ W1
    msgs = h[src] * norm[:, None]
    out = jax.ops.segment_sum(msgs, dst, num_segments=N) + b1
    # relu
    out = jax.nn.relu(out)
    # LayerNorm over last dim
    mu = jnp.mean(out, axis=-1, keepdims=True)
    var = jnp.var(out, axis=-1, keepdims=True)
    out = (out - mu) / jnp.sqrt(var + 1e-5) * gamma + beta
    # linear to in_feature*2
    out = out @ W2 + b2
    out = jax.nn.relu(out)
    return (out, edge_index)

if __name__ == "__main__":
    import jax
    _d = setup_inputs()
    print(jax.jit(kernel)(*tuple(_d.values())))

</pallas_src>

<mosaic_0001>
#map = affine_map<(d0, d1) -> (0, 0, 0)>
module attributes {stable_mosaic.version = 14 : i64} {
  func.func @_count_body(%arg0: i32, %arg1: i32, %arg2: memref<32x157x64xi32, #tpu.memory_space<hbm>>, %arg3: memref<2x10240x16xf32, #tpu.memory_space<hbm>>, %arg4: memref<157x64xi32, #tpu.memory_space<vmem>>, %arg5: memref<640x16xf32, #tpu.memory_space<vmem>>, %arg6: memref<10240x16xf32, #tpu.memory_space<vmem_shared>>, %arg7: memref<!tpu.dma_semaphore, #tpu.memory_space<semaphore_mem>>) attributes {dimension_semantics = [#tpu.dimension_semantics<core_parallel>, #tpu.dimension_semantics<subcore_parallel>], iteration_bounds = array<i64: 2, 16>, scalar_prefetch = 0 : i64, scratch_operands = 4 : i64, tpu.core_type = #tpu.core_type<sc_vector_subcore>, window_params = [{transform_indices = #map}, {transform_indices = #map}]} {
    %mul3A = arith.constant 16 : i32
    %mul3A_0 = arith.muli %arg0, %mul3A : i32
    %add3A = arith.addi %mul3A_0, %arg1 : i32
    %scan3A = arith.constant 0 : i32
    %scan3A_1 = arith.constant 0 : i32
    %scan3A_2 = arith.constant 640 : i32
    %scan3A_3 = arith.addi %scan3A_1, %scan3A_2 : i32
    %scan3A_4 = arith.constant 1 : i32
    %scan3A_5 = scf.for %scan3A_35 = %scan3A_1 to %scan3A_3 step %scan3A_4 iter_args(%scan3A_36 = %scan3A) -> (i32)  : i32 {
      %broadcast_in_dim3A = arith.constant 0.000000e+00 : f32
      %broadcast_in_dim3A_37 = vector.broadcast %broadcast_in_dim3A : f32 to vector<16xf32>
      %swap3A = arith.index_cast %scan3A_35 : i32 to index
      %swap3A_38 = arith.constant 0 : index
      %swap3A_39 = tpu.vector_load %arg5[%swap3A, %swap3A_38] {strides = array<i32>} : memref<640x16xf32, #tpu.memory_space<vmem>>, vector<1x16xf32>,
      %swap3A_40 = vector.shape_cast %swap3A_39 : vector<1x16xf32> to vector<16xf32>
      %swap3A_41 = vector.shape_cast %broadcast_in_dim3A_37 : vector<16xf32> to vector<1x16xf32>
      tpu.vector_store %arg5[%swap3A, %swap3A_38], %swap3A_41 {strides = array<i32>} : memref<640x16xf32, #tpu.memory_space<vmem>>, vector<1x16xf32>,
      %scan3A_42 = arith.constant 0 : i32
      scf.yield %scan3A_42 : i32
    }
    %scan3A_6 = arith.constant 640 : i32
    %mul3A_7 = arith.constant 640 : i32
    %mul3A_8 = arith.muli %arg1, %mul3A_7 : i32
    "tpu.region"() ({
      %run_scoped3A = tpu.sem_alloc : memref<!tpu.dma_semaphore, #tpu.memory_space<semaphore_mem>>
      %dma_start3A = arith.constant 0 : i32
      %dma_start3A_35 = tpu.memref_slice %arg6[%mul3A_8, %dma_start3A] : memref<10240x16xf32, #tpu.memory_space<vmem_shared>> -> memref<640x16xf32, #tpu.memory_space<vmem_shared>>
      %dma_start3A_36 = arith.constant 0 : i32
      %dma_start3A_37 = tpu.memref_slice %arg6[%mul3A_8, %dma_start3A_36] : memref<10240x16xf32, #tpu.memory_space<vmem_shared>> -> memref<640x16xf32, #tpu.memory_space<vmem_shared>>
      tpu.enqueue_dma source(%arg5 : memref<640x16xf32, #tpu.memory_space<vmem>>) target(%dma_start3A_37 : memref<640x16xf32, #tpu.memory_space<vmem_shared>>) target_semaphore(%run_scoped3A : memref<!tpu.dma_semaphore, #tpu.memory_space<semaphore_mem>>)
      %dma_wait3A = arith.constant 0 : i32
      %dma_wait3A_38 = tpu.memref_slice %arg6[%mul3A_8, %dma_wait3A] : memref<10240x16xf32, #tpu.memory_space<vmem_shared>> -> memref<640x16xf32, #tpu.memory_space<vmem_shared>>
      %dma_wait3A_39 = arith.constant 0 : i32
      %dma_wait3A_40 = tpu.memref_slice %arg6[%mul3A_8, %dma_wait3A_39] : memref<10240x16xf32, #tpu.memory_space<vmem_shared>> -> memref<640x16xf32, #tpu.memory_space<vmem_shared>>
      tpu.wait_dma2 semaphore(%run_scoped3A : memref<!tpu.dma_semaphore, #tpu.memory_space<semaphore_mem>>) src(%arg5 : memref<640x16xf32, #tpu.memory_space<vmem>>) dst(%dma_wait3A_40 : memref<640x16xf32, #tpu.memory_space<vmem_shared>>)
      tpu.yield
    }) : () -> ()
    "tpu.region"() ({
      %run_scoped3A = tpu.sem_alloc : memref<!tpu.dma_semaphore, #tpu.memory_space<semaphore_mem>>
      %dma_start3A = arith.constant 0 : i32
      %dma_start3A_35 = arith.constant 0 : i32
      %dma_start3A_36 = tpu.memref_slice %arg2[%add3A, %dma_start3A, %dma_start3A_35] : memref<32x157x64xi32, #tpu.memory_space<hbm>> -> memref<1x157x64xi32, #tpu.memory_space<hbm>>
      %dma_start3A_37 = tpu.memref_squeeze %dma_start3A_36 : memref<1x157x64xi32, #tpu.memory_space<hbm>> -> memref<157x64xi32, #tpu.memory_space<hbm>>
      %dma_start3A_38 = arith.constant 0 : i32
      %dma_start3A_39 = arith.constant 0 : i32
      %dma_start3A_40 = tpu.memref_slice %arg2[%add3A, %dma_start3A_38, %dma_start3A_39] : memref<32x157x64xi32, #tpu.memory_space<hbm>> -> memref<1x157x64xi32, #tpu.memory_space<hbm>>
      %dma_start3A_41 = tpu.memref_squeeze %dma_start3A_40 : memref<1x157x64xi32, #tpu.memory_space<hbm>> -> memref<157x64xi32, #tpu.memory_space<hbm>>
      tpu.enqueue_dma source(%dma_start3A_41 : memref<157x64xi32, #tpu.memory_space<hbm>>) target(%arg4 : memref<157x64xi32, #tpu.memory_space<vmem>>) target_semaphore(%run_scoped3A : memref<!tpu.dma_semaphore, #tpu.memory_space<semaphore_mem>>)
      %dma_wait3A = arith.constant 0 : i32
      %dma_wait3A_42 = arith.constant 0 : i32
      %dma_wait3A_43 = tpu.memref_slice %arg2[%add3A, %dma_wait3A, %dma_wait3A_42] : memref<32x157x64xi32, #tpu.memory_space<hbm>> -> memref<1x157x64xi32, #tpu.memory_space<hbm>>
      %dma_wait3A_44 = tpu.memref_squeeze %dma_wait3A_43 : memref<1x157x64xi32, #tpu.memory_space<hbm>> -> memref<157x64xi32, #tpu.memory_space<hbm>>
      %dma_wait3A_45 = arith.constant 0 : i32
      %dma_wait3A_46 = arith.constant 0 : i32
      %dma_wait3A_47 = tpu.memref_slice %arg2[%add3A, %dma_wait3A_45, %dma_wait3A_46] : memref<32x157x64xi32, #tpu.memory_space<hbm>> -> memref<1x157x64xi32, #tpu.memory_space<hbm>>
      %dma_wait3A_48 = tpu.memref_squeeze %dma_wait3A_47 : memref<1x157x64xi32, #tpu.memory_space<hbm>> -> memref<157x64xi32, #tpu.memory_space<hbm>>
      tpu.wait_dma2 semaphore(%run_scoped3A : memref<!tpu.dma_semaphore, #tpu.memory_space<semaphore_mem>>) src(%dma_wait3A_48 : memref<157x64xi32, #tpu.memory_space<hbm>>) dst(%arg4 : memref<157x64xi32, #tpu.memory_space<vmem>>)
      tpu.yield
    }) : () -> ()
    %scan3A_9 = arith.constant 0 : i32
    %scan3A_10 = arith.constant 0 : i32
    %scan3A_11 = arith.constant 64 : i32
    %scan3A_12 = arith.addi %scan3A_10, %scan3A_11 : i32
    %scan3A_13 = arith.constant 1 : i32
    %scan3A_14 = scf.for %scan3A_35 = %scan3A_10 to %scan3A_12 step %scan3A_13 iter_args(%scan3A_36 = %scan3A_9) -> (i32)  : i32 {
      %broadcast_in_dim3A = arith.constant 1.000000e+00 : f32
      %broadcast_in_dim3A_37 = vector.broadcast %broadcast_in_dim3A : f32 to vector<16xf32>
      %swap3A = arith.index_cast %scan3A_35 : i32 to index
      %swap3A_38 = arith.constant 0 : index
      %swap3A_39 = tpu.vector_load %arg5[%swap3A, %swap3A_38] {strides = array<i32>} : memref<640x16xf32, #tpu.memory_space<vmem>>, vector<1x16xf32>,
      %swap3A_40 = vector.shape_cast %swap3A_39 : vector<1x16xf32> to vector<16xf32>
      %swap3A_41 = vector.shape_cast %broadcast_in_dim3A_37 : vector<16xf32> to vector<1x16xf32>
      tpu.vector_store %arg5[%swap3A, %swap3A_38], %swap3A_41 {strides = array<i32>} : memref<640x16xf32, #tpu.memory_space<vmem>>, vector<1x16xf32>,
      %scan3A_42 = arith.constant 0 : i32
      scf.yield %scan3A_42 : i32
    }
    %scan3A_15 = arith.constant 64 : i32
    %barrier3A = arith.constant 0 : index
    tpu.barrier barrier_id(%barrier3A)
    %scan3A_16 = arith.constant 0 : i32
    %scan3A_17 = arith.constant 0 : i32
    %scan3A_18 = arith.constant 157 : i32
    %scan3A_19 = arith.addi %scan3A_17, %scan3A_18 : i32
    %scan3A_20 = arith.constant 1 : i32
    %scan3A_21 = scf.for %scan3A_35 = %scan3A_17 to %scan3A_19 step %scan3A_20 iter_args(%scan3A_36 = %scan3A_16) -> (i32)  : i32 {
      %dma_start3A = arith.constant 0 : i32
      %dma_start3A_37 = arith.constant 0 : i32
      %dma_start3A_38 = tpu.memref_slice %arg5[%dma_start3A, %dma_start3A_37] : memref<640x16xf32, #tpu.memory_space<vmem>> -> memref<64x16xf32, #tpu.memory_space<vmem>>
      %dma_start3A_39 = arith.constant 0 : i32
      %dma_start3A_40 = tpu.memref_slice %arg4[%scan3A_35, %dma_start3A_39] : memref<157x64xi32, #tpu.memory_space<vmem>> -> memref<1x64xi32, #tpu.memory_space<vmem>>
      %dma_start3A_41 = tpu.memref_squeeze %dma_start3A_40 : memref<1x64xi32, #tpu.memory_space<vmem>> -> memref<64xi32, #tpu.memory_space<vmem>>
      %dma_start3A_42 = arith.constant 0 : i32
      %dma_start3A_43 = arith.constant 0 : i32
      %dma_start3A_44 = tpu.memref_slice %arg6[%dma_start3A_42, %dma_start3A_43] : memref<10240x16xf32, #tpu.memory_space<vmem_shared>> -> memref<10240x16xf32, #tpu.memory_space<vmem_shared>>
      tpu.enqueue_indirect_dma source(%dma_start3A_38 : memref<64x16xf32, #tpu.memory_space<vmem>>) target(%dma_start3A_44 : memref<10240x16xf32, #tpu.memory_space<vmem_shared>>) offsets(%dma_start3A_41 : memref<64xi32, #tpu.memory_space<vmem>>) semaphore(%arg7 : memref<!tpu.dma_semaphore, #tpu.memory_space<semaphore_mem>>) {add = true}
      %scan3A_45 = arith.constant 0 : i32
      scf.yield %scan3A_45 : i32
    }
    %scan3A_22 = arith.constant 157 : i32
    %scan3A_23 = arith.constant 0 : i32
    %scan3A_24 = arith.constant 0 : i32
    %scan3A_25 = arith.constant 157 : i32
    %scan3A_26 = arith.addi %scan3A_24, %scan3A_25 : i32
    %scan3A_27 = arith.constant 1 : i32
    %scan3A_28 = scf.for %scan3A_35 = %scan3A_24 to %scan3A_26 step %scan3A_27 iter_args(%scan3A_36 = %scan3A_23) -> (i32)  : i32 {
      %dma_wait3A = arith.constant 0 : i32
      %dma_wait3A_37 = arith.constant 0 : i32
      %dma_wait3A_38 = tpu.memref_slice %arg5[%dma_wait3A, %dma_wait3A_37] : memref<640x16xf32, #tpu.memory_space<vmem>> -> memref<64x16xf32, #tpu.memory_space<vmem>>
      %dma_wait3A_39 = arith.constant 0 : i32
      %dma_wait3A_40 = tpu.memref_slice %arg4[%scan3A_35, %dma_wait3A_39] : memref<157x64xi32, #tpu.memory_space<vmem>> -> memref<1x64xi32, #tpu.memory_space<vmem>>
      %dma_wait3A_41 = tpu.memref_squeeze %dma_wait3A_40 : memref<1x64xi32, #tpu.memory_space<vmem>> -> memref<64xi32, #tpu.memory_space<vmem>>
      %dma_wait3A_42 = arith.constant 0 : i32
      %dma_wait3A_43 = arith.constant 0 : i32
      %dma_wait3A_44 = tpu.memref_slice %arg6[%dma_wait3A_42, %dma_wait3A_43] : memref<10240x16xf32, #tpu.memory_space<vmem_shared>> -> memref<10240x16xf32, #tpu.memory_space<vmem_shared>>
      tpu.wait_indirect_dma semaphore(%arg7 : memref<!tpu.dma_semaphore, #tpu.memory_space<semaphore_mem>>) src(%dma_wait3A_38 : memref<64x16xf32, #tpu.memory_space<vmem>>) dst(%dma_wait3A_44 : memref<10240x16xf32, #tpu.memory_space<vmem_shared>>)
      %scan3A_45 = arith.constant 0 : i32
      scf.yield %scan3A_45 : i32
    }
    %scan3A_29 = arith.constant 157 : i32
    %barrier3A_30 = arith.constant 0 : index
    tpu.barrier barrier_id(%barrier3A_30)
    %mul3A_31 = arith.constant 640 : i32
    %mul3A_32 = arith.muli %arg1, %mul3A_31 : i32
    %mul3A_33 = arith.constant 640 : i32
    %mul3A_34 = arith.muli %arg1, %mul3A_33 : i32
    "tpu.region"() ({
      %run_scoped3A = tpu.sem_alloc : memref<!tpu.dma_semaphore, #tpu.memory_space<semaphore_mem>>
      %dma_start3A = arith.constant 0 : i32
      %dma_start3A_35 = tpu.memref_slice %arg3[%arg0, %mul3A_34, %dma_start3A] : memref<2x10240x16xf32, #tpu.memory_space<hbm>> -> memref<1x640x16xf32, #tpu.memory_space<hbm>>
      %dma_start3A_36 = tpu.memref_squeeze %dma_start3A_35 : memref<1x640x16xf32, #tpu.memory_space<hbm>> -> memref<640x16xf32, #tpu.memory_space<hbm>>
      %dma_start3A_37 = arith.constant 0 : i32
      %dma_start3A_38 = tpu.memref_slice %arg6[%mul3A_32, %dma_start3A_37] : memref<10240x16xf32, #tpu.memory_space<vmem_shared>> -> memref<640x16xf32, #tpu.memory_space<vmem_shared>>
      tpu.enqueue_dma source(%dma_start3A_38 : memref<640x16xf32, #tpu.memory_space<vmem_shared>>) target(%dma_start3A_36 : memref<640x16xf32, #tpu.memory_space<hbm>>) target_semaphore(%run_scoped3A : memref<!tpu.dma_semaphore, #tpu.memory_space<semaphore_mem>>)
      %dma_wait3A = arith.constant 0 : i32
      %dma_wait3A_39 = tpu.memref_slice %arg3[%arg0, %mul3A_34, %dma_wait3A] : memref<2x10240x16xf32, #tpu.memory_space<hbm>> -> memref<1x640x16xf32, #tpu.memory_space<hbm>>
      %dma_wait3A_40 = tpu.memref_squeeze %dma_wait3A_39 : memref<1x640x16xf32, #tpu.memory_space<hbm>> -> memref<640x16xf32, #tpu.memory_space<hbm>>
      %dma_wait3A_41 = arith.constant 0 : i32
      %dma_wait3A_42 = tpu.memref_slice %arg6[%mul3A_32, %dma_wait3A_41] : memref<10240x16xf32, #tpu.memory_space<vmem_shared>> -> memref<640x16xf32, #tpu.memory_space<vmem_shared>>
      tpu.wait_dma2 semaphore(%run_scoped3A : memref<!tpu.dma_semaphore, #tpu.memory_space<semaphore_mem>>) src(%dma_wait3A_42 : memref<640x16xf32, #tpu.memory_space<vmem_shared>>) dst(%dma_wait3A_40 : memref<640x16xf32, #tpu.memory_space<hbm>>)
      tpu.yield
    }) : () -> ()
    return
  }
}

#map = affine_map<(d0, d1) -> (0, 0, 0)>
#map1 = affine_map<(d0, d1) -> (0, 0)>
module attributes {stable_mosaic.version = 14 : i64} {
  func.func @_agg_body(%arg0: i32, %arg1: i32, %arg2: memref<32x157x64xi32, #tpu.memory_space<hbm>>, %arg3: memref<32x157x64xi32, #tpu.memory_space<hbm>>, %arg4: memref<10240x128xf32, #tpu.memory_space<hbm>>, %arg5: memref<2x10240x128xf32, #tpu.memory_space<hbm>>, %arg6: memref<157x64xi32, #tpu.memory_space<vmem>>, %arg7: memref<157x64xi32, #tpu.memory_space<vmem>>, %arg8: memref<3x64x128xf32, #tpu.memory_space<vmem>>, %arg9: memref<32x128xf32, #tpu.memory_space<vmem>>, %arg10: memref<10240x128xf32, #tpu.memory_space<vmem_shared>>, %arg11: memref<!tpu.dma_semaphore, #tpu.memory_space<semaphore_mem>>, %arg12: memref<!tpu.dma_semaphore, #tpu.memory_space<semaphore_mem>>) attributes {dimension_semantics = [#tpu.dimension_semantics<core_parallel>, #tpu.dimension_semantics<subcore_parallel>], iteration_bounds = array<i64: 2, 16>, scalar_prefetch = 0 : i64, scratch_operands = 7 : i64, tpu.core_type = #tpu.core_type<sc_vector_subcore>, window_params = [{transform_indices = #map}, {transform_indices = #map}, {transform_indices = #map1}, {transform_indices = #map}]} {
    %mul3A = arith.constant 16 : i32
    %mul3A_0 = arith.muli %arg0, %mul3A : i32
    %add3A = arith.addi %mul3A_0, %arg1 : i32
    %scan3A = arith.constant 0 : i32
    %scan3A_1 = arith.constant 0 : i32
    %scan3A_2 = arith.constant 32 : i32
    %scan3A_3 = arith.addi %scan3A_1, %scan3A_2 : i32
    %scan3A_4 = arith.constant 1 : i32
    %scan3A_5 = scf.for %scan3A_67 = %scan3A_1 to %scan3A_3 step %scan3A_4 iter_args(%scan3A_68 = %scan3A) -> (i32)  : i32 {
      %scan3A_69 = arith.constant 0 : i32
      %scan3A_70 = arith.constant 0 : i32
      %scan3A_71 = arith.constant 8 : i32
      %scan3A_72 = arith.addi %scan3A_70, %scan3A_71 : i32
      %scan3A_73 = arith.constant 1 : i32
      %scan3A_74 = scf.for %scan3A_77 = %scan3A_70 to %scan3A_72 step %scan3A_73 iter_args(%scan3A_78 = %scan3A_69) -> (i32)  : i32 {
        %broadcast_in_dim3A = arith.constant 0.000000e+00 : f32
        %broadcast_in_dim3A_79 = vector.broadcast %broadcast_in_dim3A : f32 to vector<16xf32>
        %mul3A_80 = arith.constant 16 : i32
        %mul3A_81 = arith.muli %scan3A_77, %mul3A_80 : i32
        %swap3A = arith.index_cast %scan3A_67 : i32 to index
        %swap3A_82 = arith.index_cast %mul3A_81 : i32 to index
        %swap3A_83 = tpu.vector_load %arg9[%swap3A, %swap3A_82] {strides = array<i32>} : memref<32x128xf32, #tpu.memory_space<vmem>>, vector<1x16xf32>,
        %swap3A_84 = vector.shape_cast %swap3A_83 : vector<1x16xf32> to vector<16xf32>
        %swap3A_85 = vector.shape_cast %broadcast_in_dim3A_79 : vector<16xf32> to vector<1x16xf32>
        tpu.vector_store %arg9[%swap3A, %swap3A_82], %swap3A_85 {strides = array<i32>} : memref<32x128xf32, #tpu.memory_space<vmem>>, vector<1x16xf32>,
        %scan3A_86 = arith.constant 0 : i32
        scf.yield %scan3A_86 : i32
      }
      %scan3A_75 = arith.constant 8 : i32
      %scan3A_76 = arith.constant 0 : i32
      scf.yield %scan3A_76 : i32
    }
    %scan3A_6 = arith.constant 32 : i32
    %scan3A_7 = arith.constant 0 : i32
    %scan3A_8 = arith.constant 0 : i32
    %scan3A_9 = arith.constant 20 : i32
    %scan3A_10 = arith.addi %scan3A_8, %scan3A_9 : i32
    %scan3A_11 = arith.constant 1 : i32
    %scan3A_12 = scf.for %scan3A_67 = %scan3A_8 to %scan3A_10 step %scan3A_11 iter_args(%scan3A_68 = %scan3A_7) -> (i32)  : i32 {
      %mul3A_69 = arith.constant 640 : i32
      %mul3A_70 = arith.muli %arg1, %mul3A_69 : i32
      %mul3A_71 = arith.constant 32 : i32
      %mul3A_72 = arith.muli %scan3A_67, %mul3A_71 : i32
      %add3A_73 = arith.addi %mul3A_70, %mul3A_72 : i32
      %dma_start3A_74 = arith.constant 0 : i32
      %dma_start3A_75 = tpu.memref_slice %arg10[%add3A_73, %dma_start3A_74] : memref<10240x128xf32, #tpu.memory_space<vmem_shared>> -> memref<32x128xf32, #tpu.memory_space<vmem_shared>>
      %dma_start3A_76 = arith.constant 0 : i32
      %dma_start3A_77 = tpu.memref_slice %arg10[%add3A_73, %dma_start3A_76] : memref<10240x128xf32, #tpu.memory_space<vmem_shared>> -> memref<32x128xf32, #tpu.memory_space<vmem_shared>>
      tpu.enqueue_dma source(%arg9 : memref<32x128xf32, #tpu.memory_space<vmem>>) target(%dma_start3A_77 : memref<32x128xf32, #tpu.memory_space<vmem_shared>>) target_semaphore(%arg11 : memref<!tpu.dma_semaphore, #tpu.memory_space<semaphore_mem>>)
      %scan3A_78 = arith.constant 0 : i32
      scf.yield %scan3A_78 : i32
    }
    %scan3A_13 = arith.constant 20 : i32
    "tpu.region"() ({
      %run_scoped3A = tpu.sem_alloc : memref<!tpu.dma_semaphore, #tpu.memory_space<semaphore_mem>>
      %dma_start3A_67 = arith.constant 0 : i32
      %dma_start3A_68 = arith.constant 0 : i32
      %dma_start3A_69 = tpu.memref_slice %arg2[%add3A, %dma_start3A_67, %dma_start3A_68] : memref<32x157x64xi32, #tpu.memory_space<hbm>> -> memref<1x157x64xi32, #tpu.memory_space<hbm>>
      %dma_start3A_70 = tpu.memref_squeeze %dma_start3A_69 : memref<1x157x64xi32, #tpu.memory_space<hbm>> -> memref<157x64xi32, #tpu.memory_space<hbm>>
      %dma_start3A_71 = arith.constant 0 : i32
      %dma_start3A_72 = arith.constant 0 : i32
      %dma_start3A_73 = tpu.memref_slice %arg2[%add3A, %dma_start3A_71, %dma_start3A_72] : memref<32x157x64xi32, #tpu.memory_space<hbm>> -> memref<1x157x64xi32, #tpu.memory_space<hbm>>
      %dma_start3A_74 = tpu.memref_squeeze %dma_start3A_73 : memref<1x157x64xi32, #tpu.memory_space<hbm>> -> memref<157x64xi32, #tpu.memory_space<hbm>>
      tpu.enqueue_dma source(%dma_start3A_74 : memref<157x64xi32, #tpu.memory_space<hbm>>) target(%arg6 : memref<157x64xi32, #tpu.memory_space<vmem>>) target_semaphore(%run_scoped3A : memref<!tpu.dma_semaphore, #tpu.memory_space<semaphore_mem>>)
      %dma_wait3A_75 = arith.constant 0 : i32
      %dma_wait3A_76 = arith.constant 0 : i32
      %dma_wait3A_77 = tpu.memref_slice %arg2[%add3A, %dma_wait3A_75, %dma_wait3A_76] : memref<32x157x64xi32, #tpu.memory_space<hbm>> -> memref<1x157x64xi32, #tpu.memory_space<hbm>>
      %dma_wait3A_78 = tpu.memref_squeeze %dma_wait3A_77 : memref<1x157x64xi32, #tpu.memory_space<hbm>> -> memref<157x64xi32, #tpu.memory_space<hbm>>
      %dma_wait3A_79 = arith.constant 0 : i32
      %dma_wait3A_80 = arith.constant 0 : i32
      %dma_wait3A_81 = tpu.memref_slice %arg2[%add3A, %dma_wait3A_79, %dma_wait3A_80] : memref<32x157x64xi32, #tpu.memory_space<hbm>> -> memref<1x157x64xi32, #tpu.memory_space<hbm>>
      %dma_wait3A_82 = tpu.memref_squeeze %dma_wait3A_81 : memref<1x157x64xi32, #tpu.memory_space<hbm>> -> memref<157x64xi32, #tpu.memory_space<hbm>>
      tpu.wait_dma2 semaphore(%run_scoped3A : memref<!tpu.dma_semaphore, #tpu.memory_space<semaphore_mem>>) src(%dma_wait3A_82 : memref<157x64xi32, #tpu.memory_space<hbm>>) dst(%arg6 : memref<157x64xi32, #tpu.memory_space<vmem>>)
      tpu.yield
    }) : () -> ()
    "tpu.region"() ({
      %run_scoped3A = tpu.sem_alloc : memref<!tpu.dma_semaphore, #tpu.memory_space<semaphore_mem>>
      %dma_start3A_67 = arith.constant 0 : i32
      %dma_start3A_68 = arith.constant 0 : i32
      %dma_start3A_69 = tpu.memref_slice %arg3[%add3A, %dma_start3A_67, %dma_start3A_68] : memref<32x157x64xi32, #tpu.memory_space<hbm>> -> memref<1x157x64xi32, #tpu.memory_space<hbm>>
      %dma_start3A_70 = tpu.memref_squeeze %dma_start3A_69 : memref<1x157x64xi32, #tpu.memory_space<hbm>> -> memref<157x64xi32, #tpu.memory_space<hbm>>
      %dma_start3A_71 = arith.constant 0 : i32
      %dma_start3A_72 = arith.constant 0 : i32
      %dma_start3A_73 = tpu.memref_slice %arg3[%add3A, %dma_start3A_71, %dma_start3A_72] : memref<32x157x64xi32, #tpu.memory_space<hbm>> -> memref<1x157x64xi32, #tpu.memory_space<hbm>>
      %dma_start3A_74 = tpu.memref_squeeze %dma_start3A_73 : memref<1x157x64xi32, #tpu.memory_space<hbm>> -> memref<157x64xi32, #tpu.memory_space<hbm>>
      tpu.enqueue_dma source(%dma_start3A_74 : memref<157x64xi32, #tpu.memory_space<hbm>>) target(%arg7 : memref<157x64xi32, #tpu.memory_space<vmem>>) target_semaphore(%run_scoped3A : memref<!tpu.dma_semaphore, #tpu.memory_space<semaphore_mem>>)
      %dma_wait3A_75 = arith.constant 0 : i32
      %dma_wait3A_76 = arith.constant 0 : i32
      %dma_wait3A_77 = tpu.memref_slice %arg3[%add3A, %dma_wait3A_75, %dma_wait3A_76] : memref<32x157x64xi32, #tpu.memory_space<hbm>> -> memref<1x157x64xi32, #tpu.memory_space<hbm>>
      %dma_wait3A_78 = tpu.memref_squeeze %dma_wait3A_77 : memref<1x157x64xi32, #tpu.memory_space<hbm>> -> memref<157x64xi32, #tpu.memory_space<hbm>>
      %dma_wait3A_79 = arith.constant 0 : i32
      %dma_wait3A_80 = arith.constant 0 : i32
      %dma_wait3A_81 = tpu.memref_slice %arg3[%add3A, %dma_wait3A_79, %dma_wait3A_80] : memref<32x157x64xi32, #tpu.memory_space<hbm>> -> memref<1x157x64xi32, #tpu.memory_space<hbm>>
      %dma_wait3A_82 = tpu.memref_squeeze %dma_wait3A_81 : memref<1x157x64xi32, #tpu.memory_space<hbm>> -> memref<157x64xi32, #tpu.memory_space<hbm>>
      tpu.wait_dma2 semaphore(%run_scoped3A : memref<!tpu.dma_semaphore, #tpu.memory_space<semaphore_mem>>) src(%dma_wait3A_82 : memref<157x64xi32, #tpu.memory_space<hbm>>) dst(%arg7 : memref<157x64xi32, #tpu.memory_space<vmem>>)
      tpu.yield
    }) : () -> ()
    %scan3A_14 = arith.constant 0 : i32
    %scan3A_15 = arith.constant 0 : i32
    %scan3A_16 = arith.constant 20 : i32
    %scan3A_17 = arith.addi %scan3A_15, %scan3A_16 : i32
    %scan3A_18 = arith.constant 1 : i32
    %scan3A_19 = scf.for %scan3A_67 = %scan3A_15 to %scan3A_17 step %scan3A_18 iter_args(%scan3A_68 = %scan3A_14) -> (i32)  : i32 {
      %mul3A_69 = arith.constant 640 : i32
      %mul3A_70 = arith.muli %arg1, %mul3A_69 : i32
      %mul3A_71 = arith.constant 32 : i32
      %mul3A_72 = arith.muli %scan3A_67, %mul3A_71 : i32
      %add3A_73 = arith.addi %mul3A_70, %mul3A_72 : i32
      %dma_wait3A_74 = arith.constant 0 : i32
      %dma_wait3A_75 = tpu.memref_slice %arg10[%add3A_73, %dma_wait3A_74] : memref<10240x128xf32, #tpu.memory_space<vmem_shared>> -> memref<32x128xf32, #tpu.memory_space<vmem_shared>>
      %dma_wait3A_76 = arith.constant 0 : i32
      %dma_wait3A_77 = tpu.memref_slice %arg10[%add3A_73, %dma_wait3A_76] : memref<10240x128xf32, #tpu.memory_space<vmem_shared>> -> memref<32x128xf32, #tpu.memory_space<vmem_shared>>
      tpu.wait_dma2 semaphore(%arg11 : memref<!tpu.dma_semaphore, #tpu.memory_space<semaphore_mem>>) src(%arg9 : memref<32x128xf32, #tpu.memory_space<vmem>>) dst(%dma_wait3A_77 : memref<32x128xf32, #tpu.memory_space<vmem_shared>>)
      %scan3A_78 = arith.constant 0 : i32
      scf.yield %scan3A_78 : i32
    }
    %scan3A_20 = arith.constant 20 : i32
    %barrier3A = arith.constant 0 : index
    tpu.barrier barrier_id(%barrier3A)
    %dma_start3A = arith.constant 0 : i32
    %dma_start3A_21 = arith.constant 0 : i32
    %dma_start3A_22 = arith.constant 0 : i32
    %dma_start3A_23 = arith.constant 0 : i32
    %dma_start3A_24 = tpu.memref_slice %arg8[%dma_start3A_21, %dma_start3A_22, %dma_start3A_23] : memref<3x64x128xf32, #tpu.memory_space<vmem>> -> memref<1x64x128xf32, #tpu.memory_space<vmem>>
    %dma_start3A_25 = tpu.memref_squeeze %dma_start3A_24 : memref<1x64x128xf32, #tpu.memory_space<vmem>> -> memref<64x128xf32, #tpu.memory_space<vmem>>
    %dma_start3A_26 = arith.constant 0 : i32
    %dma_start3A_27 = tpu.memref_slice %arg6[%dma_start3A, %dma_start3A_26] : memref<157x64xi32, #tpu.memory_space<vmem>> -> memref<1x64xi32, #tpu.memory_space<vmem>>
    %dma_start3A_28 = tpu.memref_squeeze %dma_start3A_27 : memref<1x64xi32, #tpu.memory_space<vmem>> -> memref<64xi32, #tpu.memory_space<vmem>>
    %dma_start3A_29 = arith.constant 0 : i32
    %dma_start3A_30 = arith.constant 0 : i32
    %dma_start3A_31 = tpu.memref_slice %arg4[%dma_start3A_29, %dma_start3A_30] : memref<10240x128xf32, #tpu.memory_space<hbm>> -> memref<10240x128xf32, #tpu.memory_space<hbm>>
    tpu.enqueue_indirect_dma source(%dma_start3A_31 : memref<10240x128xf32, #tpu.memory_space<hbm>>) target(%dma_start3A_25 : memref<64x128xf32, #tpu.memory_space<vmem>>) offsets(%dma_start3A_28 : memref<64xi32, #tpu.memory_space<vmem>>) semaphore(%arg11 : memref<!tpu.dma_semaphore, #tpu.memory_space<semaphore_mem>>)
    %dma_start3A_32 = arith.constant 1 : i32
    %dma_start3A_33 = arith.constant 1 : i32
    %dma_start3A_34 = arith.constant 0 : i32
    %dma_start3A_35 = arith.constant 0 : i32
    %dma_start3A_36 = tpu.memref_slice %arg8[%dma_start3A_33, %dma_start3A_34, %dma_start3A_35] : memref<3x64x128xf32, #tpu.memory_space<vmem>> -> memref<1x64x128xf32, #tpu.memory_space<vmem>>
    %dma_start3A_37 = tpu.memref_squeeze %dma_start3A_36 : memref<1x64x128xf32, #tpu.memory_space<vmem>> -> memref<64x128xf32, #tpu.memory_space<vmem>>
    %dma_start3A_38 = arith.constant 0 : i32
    %dma_start3A_39 = tpu.memref_slice %arg6[%dma_start3A_32, %dma_start3A_38] : memref<157x64xi32, #tpu.memory_space<vmem>> -> memref<1x64xi32, #tpu.memory_space<vmem>>
    %dma_start3A_40 = tpu.memref_squeeze %dma_start3A_39 : memref<1x64xi32, #tpu.memory_space<vmem>> -> memref<64xi32, #tpu.memory_space<vmem>>
    %dma_start3A_41 = arith.constant 0 : i32
    %dma_start3A_42 = arith.constant 0 : i32
    %dma_start3A_43 = tpu.memref_slice %arg4[%dma_start3A_41, %dma_start3A_42] : memref<10240x128xf32, #tpu.memory_space<hbm>> -> memref<10240x128xf32, #tpu.memory_space<hbm>>
    tpu.enqueue_indirect_dma source(%dma_start3A_43 : memref<10240x128xf32, #tpu.memory_space<hbm>>) target(%dma_start3A_37 : memref<64x128xf32, #tpu.memory_space<vmem>>) offsets(%dma_start3A_40 : memref<64xi32, #tpu.memory_space<vmem>>) semaphore(%arg11 : memref<!tpu.dma_semaphore, #tpu.memory_space<semaphore_mem>>)
    %scan3A_44 = arith.constant 0 : i32
    %scan3A_45 = arith.constant 0 : i32
    %scan3A_46 = arith.constant 157 : i32
    %scan3A_47 = arith.addi %scan3A_45, %scan3A_46 : i32
    %scan3A_48 = arith.constant 1 : i32
    %scan3A_49 = scf.for %scan3A_67 = %scan3A_45 to %scan3A_47 step %scan3A_48 iter_args(%scan3A_68 = %scan3A_44) -> (i32)  : i32 {
      %rem3A = arith.constant 3 : i32
      %rem3A_69 = arith.remsi %scan3A_67, %rem3A : i32
      %dma_wait3A_70 = arith.constant 0 : i32
      %dma_wait3A_71 = arith.constant 0 : i32
      %dma_wait3A_72 = tpu.memref_slice %arg8[%rem3A_69, %dma_wait3A_70, %dma_wait3A_71] : memref<3x64x128xf32, #tpu.memory_space<vmem>> -> memref<1x64x128xf32, #tpu.memory_space<vmem>>
      %dma_wait3A_73 = tpu.memref_squeeze %dma_wait3A_72 : memref<1x64x128xf32, #tpu.memory_space<vmem>> -> memref<64x128xf32, #tpu.memory_space<vmem>>
      %dma_wait3A_74 = arith.constant 0 : i32
      %dma_wait3A_75 = tpu.memref_slice %arg6[%scan3A_67, %dma_wait3A_74] : memref<157x64xi32, #tpu.memory_space<vmem>> -> memref<1x64xi32, #tpu.memory_space<vmem>>
      %dma_wait3A_76 = tpu.memref_squeeze %dma_wait3A_75 : memref<1x64xi32, #tpu.memory_space<vmem>> -> memref<64xi32, #tpu.memory_space<vmem>>
      %dma_wait3A_77 = arith.constant 0 : i32
      %dma_wait3A_78 = arith.constant 0 : i32
      %dma_wait3A_79 = tpu.memref_slice %arg4[%dma_wait3A_77, %dma_wait3A_78] : memref<10240x128xf32, #tpu.memory_space<hbm>> -> memref<10240x128xf32, #tpu.memory_space<hbm>>
      tpu.wait_indirect_dma semaphore(%arg11 : memref<!tpu.dma_semaphore, #tpu.memory_space<semaphore_mem>>) src(%dma_wait3A_79 : memref<10240x128xf32, #tpu.memory_space<hbm>>) dst(%dma_wait3A_73 : memref<64x128xf32, #tpu.memory_space<vmem>>)
      %dma_start3A_80 = arith.constant 0 : i32
      %dma_start3A_81 = arith.constant 0 : i32
      %dma_start3A_82 = tpu.memref_slice %arg8[%rem3A_69, %dma_start3A_80, %dma_start3A_81] : memref<3x64x128xf32, #tpu.memory_space<vmem>> -> memref<1x64x128xf32, #tpu.memory_space<vmem>>
      %dma_start3A_83 = tpu.memref_squeeze %dma_start3A_82 : memref<1x64x128xf32, #tpu.memory_space<vmem>> -> memref<64x128xf32, #tpu.memory_space<vmem>>
      %dma_start3A_84 = arith.constant 0 : i32
      %dma_start3A_85 = tpu.memref_slice %arg7[%scan3A_67, %dma_start3A_84] : memref<157x64xi32, #tpu.memory_space<vmem>> -> memref<1x64xi32, #tpu.memory_space<vmem>>
      %dma_start3A_86 = tpu.memref_squeeze %dma_start3A_85 : memref<1x64xi32, #tpu.memory_space<vmem>> -> memref<64xi32, #tpu.memory_space<vmem>>
      %dma_start3A_87 = arith.constant 0 : i32
      %dma_start3A_88 = arith.constant 0 : i32
      %dma_start3A_89 = tpu.memref_slice %arg10[%dma_start3A_87, %dma_start3A_88] : memref<10240x128xf32, #tpu.memory_space<vmem_shared>> -> memref<10240x128xf32, #tpu.memory_space<vmem_shared>>
      tpu.enqueue_indirect_dma source(%dma_start3A_83 : memref<64x128xf32, #tpu.memory_space<vmem>>) target(%dma_start3A_89 : memref<10240x128xf32, #tpu.memory_space<vmem_shared>>) offsets(%dma_start3A_86 : memref<64xi32, #tpu.memory_space<vmem>>) semaphore(%arg12 : memref<!tpu.dma_semaphore, #tpu.memory_space<semaphore_mem>>) {add = true}
      %ge3A = arith.constant 1 : i32
      %ge3A_90 = arith.cmpi sge, %scan3A_67, %ge3A : i32
      %convert_element_type3A = arith.extui %ge3A_90 : i1 to i32
      %cond3A = arith.constant 0 : i32
      %cond3A_91 = arith.cmpi ne, %convert_element_type3A, %cond3A : i32
      scf.if %cond3A_91 {
        %sub3A = arith.constant 1 : i32
        %sub3A_97 = arith.subi %scan3A_67, %sub3A : i32
        %rem3A_98 = arith.constant 3 : i32
        %rem3A_99 = arith.remsi %sub3A_97, %rem3A_98 : i32
        %sub3A_100 = arith.constant 1 : i32
        %sub3A_101 = arith.subi %scan3A_67, %sub3A_100 : i32
        %dma_wait3A_102 = arith.constant 0 : i32
        %dma_wait3A_103 = arith.constant 0 : i32
        %dma_wait3A_104 = tpu.memref_slice %arg8[%rem3A_99, %dma_wait3A_102, %dma_wait3A_103] : memref<3x64x128xf32, #tpu.memory_space<vmem>> -> memref<1x64x128xf32, #tpu.memory_space<vmem>>
        %dma_wait3A_105 = tpu.memref_squeeze %dma_wait3A_104 : memref<1x64x128xf32, #tpu.memory_space<vmem>> -> memref<64x128xf32, #tpu.memory_space<vmem>>
        %dma_wait3A_106 = arith.constant 0 : i32
        %dma_wait3A_107 = tpu.memref_slice %arg7[%sub3A_101, %dma_wait3A_106] : memref<157x64xi32, #tpu.memory_space<vmem>> -> memref<1x64xi32, #tpu.memory_space<vmem>>
        %dma_wait3A_108 = tpu.memref_squeeze %dma_wait3A_107 : memref<1x64xi32, #tpu.memory_space<vmem>> -> memref<64xi32, #tpu.memory_space<vmem>>
        %dma_wait3A_109 = arith.constant 0 : i32
        %dma_wait3A_110 = arith.constant 0 : i32
        %dma_wait3A_111 = tpu.memref_slice %arg10[%dma_wait3A_109, %dma_wait3A_110] : memref<10240x128xf32, #tpu.memory_space<vmem_shared>> -> memref<10240x128xf32, #tpu.memory_space<vmem_shared>>
        tpu.wait_indirect_dma semaphore(%arg12 : memref<!tpu.dma_semaphore, #tpu.memory_space<semaphore_mem>>) src(%dma_wait3A_105 : memref<64x128xf32, #tpu.memory_space<vmem>>) dst(%dma_wait3A_111 : memref<10240x128xf32, #tpu.memory_space<vmem_shared>>)
      } else {
      }
      %lt3A = arith.constant 155 : i32
      %lt3A_92 = arith.cmpi slt, %scan3A_67, %lt3A : i32
      %convert_element_type3A_93 = arith.extui %lt3A_92 : i1 to i32
      %cond3A_94 = arith.constant 0 : i32
      %cond3A_95 = arith.cmpi ne, %convert_element_type3A_93, %cond3A_94 : i32
      scf.if %cond3A_95 {
        %add3A_97 = arith.constant 3 : i32
        %add3A_98 = arith.addi %scan3A_67, %add3A_97 : i32
        %sub3A = arith.constant 1 : i32
        %sub3A_99 = arith.subi %add3A_98, %sub3A : i32
        %add3A_100 = arith.constant 3 : i32
        %add3A_101 = arith.addi %scan3A_67, %add3A_100 : i32
        %sub3A_102 = arith.constant 1 : i32
        %sub3A_103 = arith.subi %add3A_101, %sub3A_102 : i32
        %rem3A_104 = arith.constant 3 : i32
        %rem3A_105 = arith.remsi %sub3A_103, %rem3A_104 : i32
        %dma_start3A_106 = arith.constant 0 : i32
        %dma_start3A_107 = arith.constant 0 : i32
        %dma_start3A_108 = tpu.memref_slice %arg8[%rem3A_105, %dma_start3A_106, %dma_start3A_107] : memref<3x64x128xf32, #tpu.memory_space<vmem>> -> memref<1x64x128xf32, #tpu.memory_space<vmem>>
        %dma_start3A_109 = tpu.memref_squeeze %dma_start3A_108 : memref<1x64x128xf32, #tpu.memory_space<vmem>> -> memref<64x128xf32, #tpu.memory_space<vmem>>
        %dma_start3A_110 = arith.constant 0 : i32
        %dma_start3A_111 = tpu.memref_slice %arg6[%sub3A_99, %dma_start3A_110] : memref<157x64xi32, #tpu.memory_space<vmem>> -> memref<1x64xi32, #tpu.memory_space<vmem>>
        %dma_start3A_112 = tpu.memref_squeeze %dma_start3A_111 : memref<1x64xi32, #tpu.memory_space<vmem>> -> memref<64xi32, #tpu.memory_space<vmem>>
        %dma_start3A_113 = arith.constant 0 : i32
        %dma_start3A_114 = arith.constant 0 : i32
        %dma_start3A_115 = tpu.memref_slice %arg4[%dma_start3A_113, %dma_start3A_114] : memref<10240x128xf32, #tpu.memory_space<hbm>> -> memref<10240x128xf32, #tpu.memory_space<hbm>>
        tpu.enqueue_indirect_dma source(%dma_start3A_115 : memref<10240x128xf32, #tpu.memory_space<hbm>>) target(%dma_start3A_109 : memref<64x128xf32, #tpu.memory_space<vmem>>) offsets(%dma_start3A_112 : memref<64xi32, #tpu.memory_space<vmem>>) semaphore(%arg11 : memref<!tpu.dma_semaphore, #tpu.memory_space<semaphore_mem>>)
      } else {
      }
      %scan3A_96 = arith.constant 0 : i32
      scf.yield %scan3A_96 : i32
    }
    %scan3A_50 = arith.constant 157 : i32
    %dma_wait3A = arith.constant 0 : i32
    %dma_wait3A_51 = arith.constant 156 : i32
    %dma_wait3A_52 = arith.constant 0 : i32
    %dma_wait3A_53 = arith.constant 0 : i32
    %dma_wait3A_54 = tpu.memref_slice %arg8[%dma_wait3A, %dma_wait3A_52, %dma_wait3A_53] : memref<3x64x128xf32, #tpu.memory_space<vmem>> -> memref<1x64x128xf32, #tpu.memory_space<vmem>>
    %dma_wait3A_55 = tpu.memref_squeeze %dma_wait3A_54 : memref<1x64x128xf32, #tpu.memory_space<vmem>> -> memref<64x128xf32, #tpu.memory_space<vmem>>
    %dma_wait3A_56 = arith.constant 0 : i32
    %dma_wait3A_57 = tpu.memref_slice %arg7[%dma_wait3A_51, %dma_wait3A_56] : memref<157x64xi32, #tpu.memory_space<vmem>> -> memref<1x64xi32, #tpu.memory_space<vmem>>
    %dma_wait3A_58 = tpu.memref_squeeze %dma_wait3A_57 : memref<1x64xi32, #tpu.memory_space<vmem>> -> memref<64xi32, #tpu.memory_space<vmem>>
    %dma_wait3A_59 = arith.constant 0 : i32
    %dma_wait3A_60 = arith.constant 0 : i32
    %dma_wait3A_61 = tpu.memref_slice %arg10[%dma_wait3A_59, %dma_wait3A_60] : memref<10240x128xf32, #tpu.memory_space<vmem_shared>> -> memref<10240x128xf32, #tpu.memory_space<vmem_shared>>
    tpu.wait_indirect_dma semaphore(%arg12 : memref<!tpu.dma_semaphore, #tpu.memory_space<semaphore_mem>>) src(%dma_wait3A_55 : memref<64x128xf32, #tpu.memory_space<vmem>>) dst(%dma_wait3A_61 : memref<10240x128xf32, #tpu.memory_space<vmem_shared>>)
    %barrier3A_62 = arith.constant 0 : index
    tpu.barrier barrier_id(%barrier3A_62)
    %mul3A_63 = arith.constant 640 : i32
    %mul3A_64 = arith.muli %arg1, %mul3A_63 : i32
    %mul3A_65 = arith.constant 640 : i32
    %mul3A_66 = arith.muli %arg1, %mul3A_65 : i32
    "tpu.region"() ({
      %run_scoped3A = tpu.sem_alloc : memref<!tpu.dma_semaphore, #tpu.memory_space<semaphore_mem>>
      %dma_start3A_67 = arith.constant 0 : i32
      %dma_start3A_68 = tpu.memref_slice %arg5[%arg0, %mul3A_66, %dma_start3A_67] : memref<2x10240x128xf32, #tpu.memory_space<hbm>> -> memref<1x640x128xf32, #tpu.memory_space<hbm>>
      %dma_start3A_69 = tpu.memref_squeeze %dma_start3A_68 : memref<1x640x128xf32, #tpu.memory_space<hbm>> -> memref<640x128xf32, #tpu.memory_space<hbm>>
      %dma_start3A_70 = arith.constant 0 : i32
      %dma_start3A_71 = tpu.memref_slice %arg10[%mul3A_64, %dma_start3A_70] : memref<10240x128xf32, #tpu.memory_space<vmem_shared>> -> memref<640x128xf32, #tpu.memory_space<vmem_shared>>
      tpu.enqueue_dma source(%dma_start3A_71 : memref<640x128xf32, #tpu.memory_space<vmem_shared>>) target(%dma_start3A_69 : memref<640x128xf32, #tpu.memory_space<hbm>>) target_semaphore(%run_scoped3A : memref<!tpu.dma_semaphore, #tpu.memory_space<semaphore_mem>>)
      %dma_wait3A_72 = arith.constant 0 : i32
      %dma_wait3A_73 = tpu.memref_slice %arg5[%arg0, %mul3A_66, %dma_wait3A_72] : memref<2x10240x128xf32, #tpu.memory_space<hbm>> -> memref<1x640x128xf32, #tpu.memory_space<hbm>>
      %dma_wait3A_74 = tpu.memref_squeeze %dma_wait3A_73 : memref<1x640x128xf32, #tpu.memory_space<hbm>> -> memref<640x128xf32, #tpu.memory_space<hbm>>
      %dma_wait3A_75 = arith.constant 0 : i32
      %dma_wait3A_76 = tpu.memref_slice %arg10[%mul3A_64, %dma_wait3A_75] : memref<10240x128xf32, #tpu.memory_space<vmem_shared>> -> memref<640x128xf32, #tpu.memory_space<vmem_shared>>
      tpu.wait_dma2 semaphore(%run_scoped3A : memref<!tpu.dma_semaphore, #tpu.memory_space<semaphore_mem>>) src(%dma_wait3A_76 : memref<640x128xf32, #tpu.memory_space<vmem_shared>>) dst(%dma_wait3A_74 : memref<640x128xf32, #tpu.memory_space<hbm>>)
      tpu.yield
    }) : () -> ()
    return
  }
}

module attributes {stable_mosaic.version = 14 : i64} {
  func.func @_dense1_body(%arg0: i32, %arg1: memref<1024x128xf32, #tpu.memory_space<vmem>>, %arg2: memref<128x128xf32, #tpu.memory_space<vmem>>, %arg3: memref<2x1024x16xf32, #tpu.memory_space<vmem>>, %arg4: memref<1024x128xf32, #tpu.memory_space<vmem>>, %arg5: memref<1024x1xf32, #tpu.memory_space<vmem>>) attributes {dimension_semantics = [#tpu.dimension_semantics<arbitrary>], iteration_bounds = array<i64: 10>, scalar_prefetch = 0 : i64, scratch_operands = 0 : i64, tpu.core_type = #tpu.core_type<tc>, window_params = [{transform_indices = @transform_0, window_bounds = array<i64: 1024, 128>}, {pipeline_mode = #tpu.pipeline_mode<synchronous>, transform_indices = @transform_1, window_bounds = array<i64: 128, 128>}, {transform_indices = @transform_2, window_bounds = array<i64: 2, 1024, 16>}, {transform_indices = @transform_3, window_bounds = array<i64: 1024, 128>}, {transform_indices = @transform_4, window_bounds = array<i64: 1024, 1>}]} {
    %get3A = arith.constant 0 : index
    %get3A_0 = arith.constant 0 : index
    %get3A_1 = arith.constant 0 : index
    %get3A_2 = vector.load %arg3[%get3A, %get3A_0, %get3A_1] : memref<2x1024x16xf32, #tpu.memory_space<vmem>>, vector<1x1024x16xf32>
    %get3A_3 = vector.shape_cast %get3A_2 : vector<1x1024x16xf32> to vector<1024x16xf32>
    %slice3A = vector.extract_strided_slice %get3A_3 {offsets = [0, 0], sizes = [1024, 1], strides = [1, 1]} : vector<1024x16xf32> to vector<1024x1xf32>
    %get3A_4 = arith.constant 1 : index
    %get3A_5 = arith.constant 0 : index
    %get3A_6 = arith.constant 0 : index
    %get3A_7 = vector.load %arg3[%get3A_4, %get3A_5, %get3A_6] : memref<2x1024x16xf32, #tpu.memory_space<vmem>>, vector<1x1024x16xf32>
    %get3A_8 = vector.shape_cast %get3A_7 : vector<1x1024x16xf32> to vector<1024x16xf32>
    %slice3A_9 = vector.extract_strided_slice %get3A_8 {offsets = [0, 0], sizes = [1024, 1], strides = [1, 1]} : vector<1024x16xf32> to vector<1024x1xf32>
    %add3A = arith.addf %slice3A, %slice3A_9 : vector<1024x1xf32>
    %add3A_10 = arith.constant 1.000000e+00 : f32
    %add3A_11 = vector.broadcast %add3A_10 : f32 to vector<1024x1xf32>
    %add3A_12 = arith.addf %add3A, %add3A_11 : vector<1024x1xf32>
    %rsqrt3A = math.rsqrt %add3A_12 : vector<1024x1xf32>
    %get3A_13 = arith.constant 0 : index
    %get3A_14 = arith.constant 0 : index
    %get3A_15 = vector.load %arg1[%get3A_13, %get3A_14] : memref<1024x128xf32, #tpu.memory_space<vmem>>, vector<1024x128xf32>
    %get3A_16 = arith.constant 0 : index
    %get3A_17 = arith.constant 0 : index
    %get3A_18 = vector.load %arg2[%get3A_16, %get3A_17] : memref<128x128xf32, #tpu.memory_space<vmem>>, vector<128x128xf32>
    %dot_general3A = arith.constant dense<0.000000e+00> : vector<1024x128xf32>
    %dot_general3A_19 = tpu.matmul %get3A_15, %get3A_18, %dot_general3A {dimension_numbers = #tpu.dot_dimension_numbers<[1], [0], [0], [1], [0, 0, 1, 1], [], []>, transpose_lhs_hint = false} : vector<1024x128xf32>, vector<128x128xf32>, vector<1024x128xf32> -> vector<1024x128xf32>
    %mul3A = vector.broadcast %rsqrt3A : vector<1024x1xf32> to vector<1024x128xf32>
    %mul3A_20 = arith.mulf %dot_general3A_19, %mul3A : vector<1024x128xf32>
    %swap3A = arith.constant 0 : index
    %swap3A_21 = arith.constant 0 : index
    %swap3A_22 = vector.load %arg4[%swap3A, %swap3A_21] : memref<1024x128xf32, #tpu.memory_space<vmem>>, vector<1024x128xf32>
    tpu.vector_store %arg4[%swap3A, %swap3A_21], %mul3A_20 {strides = array<i32>} : memref<1024x128xf32, #tpu.memory_space<vmem>>, vector<1024x128xf32>,
    %swap3A_23 = arith.constant 0 : index
    %swap3A_24 = arith.constant 0 : index
    %swap3A_25 = vector.load %arg5[%swap3A_23, %swap3A_24] : memref<1024x1xf32, #tpu.memory_space<vmem>>, vector<1024x1xf32>
    tpu.vector_store %arg5[%swap3A_23, %swap3A_24], %rsqrt3A {strides = array<i32>} : memref<1024x1xf32, #tpu.memory_space<vmem>>, vector<1024x1xf32>,
    return
  }
  func.func @transform_0(%arg0: i32) -> (i32, i32) {
    %c0_i32 = arith.constant 0 : i32
    %c0_i32_0 = arith.constant 0 : i32
    return %arg0, %c0_i32 : i32, i32
  }
  func.func @transform_1(%arg0: i32) -> (i32, i32) {
    %c0_i32 = arith.constant 0 : i32
    %c0_i32_0 = arith.constant 0 : i32
    %c0_i32_1 = arith.constant 0 : i32
    return %c0_i32, %c0_i32_0 : i32, i32
  }
  func.func @transform_2(%arg0: i32) -> (i32, i32, i32) {
    %c0_i32 = arith.constant 0 : i32
    %c0_i32_0 = arith.constant 0 : i32
    %c0_i32_1 = arith.constant 0 : i32
    return %c0_i32, %arg0, %c0_i32_0 : i32, i32, i32
  }
  func.func @transform_3(%arg0: i32) -> (i32, i32) {
    %c0_i32 = arith.constant 0 : i32
    %c0_i32_0 = arith.constant 0 : i32
    return %arg0, %c0_i32 : i32, i32
  }
  func.func @transform_4(%arg0: i32) -> (i32, i32) {
    %c0_i32 = arith.constant 0 : i32
    %c0_i32_0 = arith.constant 0 : i32
    return %arg0, %c0_i32 : i32, i32
  }
}

module attributes {stable_mosaic.version = 14 : i64} {
  func.func @_dense2_body(%arg0: i32, %arg1: memref<2x512x128xf32, #tpu.memory_space<vmem>>, %arg2: memref<512x128xf32, #tpu.memory_space<vmem>>, %arg3: memref<512x1xf32, #tpu.memory_space<vmem>>, %arg4: memref<128xf32, #tpu.memory_space<vmem>>, %arg5: memref<128xf32, #tpu.memory_space<vmem>>, %arg6: memref<128xf32, #tpu.memory_space<vmem>>, %arg7: memref<128x256xf32, #tpu.memory_space<vmem>>, %arg8: memref<256xf32, #tpu.memory_space<vmem>>, %arg9: memref<512x256xf32, #tpu.memory_space<vmem>>) attributes {dimension_semantics = [#tpu.dimension_semantics<arbitrary>], iteration_bounds = array<i64: 20>, scalar_prefetch = 0 : i64, scratch_operands = 0 : i64, tpu.core_type = #tpu.core_type<tc>, window_params = [{transform_indices = @transform_0, window_bounds = array<i64: 2, 512, 128>}, {transform_indices = @transform_1, window_bounds = array<i64: 512, 128>}, {transform_indices = @transform_2, window_bounds = array<i64: 512, 1>}, {pipeline_mode = #tpu.pipeline_mode<synchronous>, transform_indices = @transform_3, window_bounds = array<i64: 128>}, {pipeline_mode = #tpu.pipeline_mode<synchronous>, transform_indices = @transform_4, window_bounds = array<i64: 128>}, {pipeline_mode = #tpu.pipeline_mode<synchronous>, transform_indices = @transform_5, window_bounds = array<i64: 128>}, {pipeline_mode = #tpu.pipeline_mode<synchronous>, transform_indices = @transform_6, window_bounds = array<i64: 128, 256>}, {pipeline_mode = #tpu.pipeline_mode<synchronous>, transform_indices = @transform_7, window_bounds = array<i64: 256>}, {transform_indices = @transform_8, window_bounds = array<i64: 512, 256>}]} {
    %get3A = arith.constant 0 : index
    %get3A_0 = arith.constant 0 : index
    %get3A_1 = arith.constant 0 : index
    %get3A_2 = vector.load %arg1[%get3A, %get3A_0, %get3A_1] : memref<2x512x128xf32, #tpu.memory_space<vmem>>, vector<1x512x128xf32>
    %get3A_3 = vector.shape_cast %get3A_2 : vector<1x512x128xf32> to vector<512x128xf32>
    %get3A_4 = arith.constant 1 : index
    %get3A_5 = arith.constant 0 : index
    %get3A_6 = arith.constant 0 : index
    %get3A_7 = vector.load %arg1[%get3A_4, %get3A_5, %get3A_6] : memref<2x512x128xf32, #tpu.memory_space<vmem>>, vector<1x512x128xf32>
    %get3A_8 = vector.shape_cast %get3A_7 : vector<1x512x128xf32> to vector<512x128xf32>
    %add3A = arith.addf %get3A_3, %get3A_8 : vector<512x128xf32>
    %get3A_9 = arith.constant 0 : index
    %get3A_10 = arith.constant 0 : index
    %get3A_11 = vector.load %arg2[%get3A_9, %get3A_10] : memref<512x128xf32, #tpu.memory_space<vmem>>, vector<512x128xf32>
    %add3A_12 = arith.addf %add3A, %get3A_11 : vector<512x128xf32>
    %get3A_13 = arith.constant 0 : index
    %get3A_14 = arith.constant 0 : index
    %get3A_15 = vector.load %arg3[%get3A_13, %get3A_14] : memref<512x1xf32, #tpu.memory_space<vmem>>, vector<512x1xf32>
    %mul3A = vector.broadcast %get3A_15 : vector<512x1xf32> to vector<512x128xf32>
    %mul3A_16 = arith.mulf %add3A_12, %mul3A : vector<512x128xf32>
    %get3A_17 = arith.constant 0 : index
    %get3A_18 = vector.load %arg4[%get3A_17] : memref<128xf32, #tpu.memory_space<vmem>>, vector<128xf32>
    %broadcast_in_dim3A = vector.shape_cast %get3A_18 : vector<128xf32> to vector<1x128xf32>
    %add3A_19 = vector.broadcast %broadcast_in_dim3A : vector<1x128xf32> to vector<512x128xf32>
    %add3A_20 = arith.addf %mul3A_16, %add3A_19 : vector<512x128xf32>
    %max3A = arith.constant 0.000000e+00 : f32
    %max3A_21 = vector.broadcast %max3A : f32 to vector<512x128xf32>
    %max3A_22 = arith.maximumf %add3A_20, %max3A_21 : vector<512x128xf32>
    %reduce_sum3A = arith.constant dense<0.000000e+00> : vector<512xf32>
    %reduce_sum3A_23 = vector.multi_reduction <add>, %max3A_22, %reduce_sum3A [1] : vector<512x128xf32> to vector<512xf32>
    %broadcast_in_dim3A_24 = vector.shape_cast %reduce_sum3A_23 : vector<512xf32> to vector<512x1xf32>
    %div3A = arith.constant 1.280000e+02 : f32
    %div3A_25 = vector.broadcast %div3A : f32 to vector<512x1xf32>
    %div3A_26 = arith.divf %broadcast_in_dim3A_24, %div3A_25 : vector<512x1xf32>
    %sub3A = vector.broadcast %div3A_26 : vector<512x1xf32> to vector<512x128xf32>
    %sub3A_27 = arith.subf %max3A_22, %sub3A : vector<512x128xf32>
    %mul3A_28 = arith.mulf %sub3A_27, %sub3A_27 : vector<512x128xf32>
    %reduce_sum3A_29 = arith.constant dense<0.000000e+00> : vector<512xf32>
    %reduce_sum3A_30 = vector.multi_reduction <add>, %mul3A_28, %reduce_sum3A_29 [1] : vector<512x128xf32> to vector<512xf32>
    %broadcast_in_dim3A_31 = vector.shape_cast %reduce_sum3A_30 : vector<512xf32> to vector<512x1xf32>
    %div3A_32 = arith.constant 1.280000e+02 : f32
    %div3A_33 = vector.broadcast %div3A_32 : f32 to vector<512x1xf32>
    %div3A_34 = arith.divf %broadcast_in_dim3A_31, %div3A_33 : vector<512x1xf32>
    %add3A_35 = arith.constant 9.99999974E-6 : f32
    %add3A_36 = vector.broadcast %add3A_35 : f32 to vector<512x1xf32>
    %add3A_37 = arith.addf %div3A_34, %add3A_36 : vector<512x1xf32>
    %rsqrt3A = math.rsqrt %add3A_37 : vector<512x1xf32>
    %mul3A_38 = vector.broadcast %rsqrt3A : vector<512x1xf32> to vector<512x128xf32>
    %mul3A_39 = arith.mulf %sub3A_27, %mul3A_38 : vector<512x128xf32>
    %get3A_40 = arith.constant 0 : index
    %get3A_41 = vector.load %arg5[%get3A_40] : memref<128xf32, #tpu.memory_space<vmem>>, vector<128xf32>
    %broadcast_in_dim3A_42 = vector.shape_cast %get3A_41 : vector<128xf32> to vector<1x128xf32>
    %mul3A_43 = vector.broadcast %broadcast_in_dim3A_42 : vector<1x128xf32> to vector<512x128xf32>
    %mul3A_44 = arith.mulf %mul3A_39, %mul3A_43 : vector<512x128xf32>
    %get3A_45 = arith.constant 0 : index
    %get3A_46 = vector.load %arg6[%get3A_45] : memref<128xf32, #tpu.memory_space<vmem>>, vector<128xf32>
    %broadcast_in_dim3A_47 = vector.shape_cast %get3A_46 : vector<128xf32> to vector<1x128xf32>
    %add3A_48 = vector.broadcast %broadcast_in_dim3A_47 : vector<1x128xf32> to vector<512x128xf32>
    %add3A_49 = arith.addf %mul3A_44, %add3A_48 : vector<512x128xf32>
    %get3A_50 = arith.constant 0 : index
    %get3A_51 = arith.constant 0 : index
    %get3A_52 = vector.load %arg7[%get3A_50, %get3A_51] : memref<128x256xf32, #tpu.memory_space<vmem>>, vector<128x256xf32>
    %dot_general3A = arith.constant dense<0.000000e+00> : vector<512x256xf32>
    %dot_general3A_53 = tpu.matmul %add3A_49, %get3A_52, %dot_general3A {dimension_numbers = #tpu.dot_dimension_numbers<[1], [0], [0], [1], [0, 0, 1, 1], [], []>, transpose_lhs_hint = false} : vector<512x128xf32>, vector<128x256xf32>, vector<512x256xf32> -> vector<512x256xf32>
    %get3A_54 = arith.constant 0 : index
    %get3A_55 = vector.load %arg8[%get3A_54] : memref<256xf32, #tpu.memory_space<vmem>>, vector<256xf32>
    %broadcast_in_dim3A_56 = vector.shape_cast %get3A_55 : vector<256xf32> to vector<1x256xf32>
    %add3A_57 = vector.broadcast %broadcast_in_dim3A_56 : vector<1x256xf32> to vector<512x256xf32>
    %add3A_58 = arith.addf %dot_general3A_53, %add3A_57 : vector<512x256xf32>
    %max3A_59 = arith.constant 0.000000e+00 : f32
    %max3A_60 = vector.broadcast %max3A_59 : f32 to vector<512x256xf32>
    %max3A_61 = arith.maximumf %add3A_58, %max3A_60 : vector<512x256xf32>
    %swap3A = arith.constant 0 : index
    %swap3A_62 = arith.constant 0 : index
    %swap3A_63 = vector.load %arg9[%swap3A, %swap3A_62] : memref<512x256xf32, #tpu.memory_space<vmem>>, vector<512x256xf32>
    tpu.vector_store %arg9[%swap3A, %swap3A_62], %max3A_61 {strides = array<i32>} : memref<512x256xf32, #tpu.memory_space<vmem>>, vector<512x256xf32>,
    return
  }
  func.func @transform_0(%arg0: i32) -> (i32, i32, i32) {
    %c0_i32 = arith.constant 0 : i32
    %c0_i32_0 = arith.constant 0 : i32
    %c0_i32_1 = arith.constant 0 : i32
    return %c0_i32, %arg0, %c0_i32_0 : i32, i32, i32
  }
  func.func @transform_1(%arg0: i32) -> (i32, i32) {
    %c0_i32 = arith.constant 0 : i32
    %c0_i32_0 = arith.constant 0 : i32
    return %arg0, %c0_i32 : i32, i32
  }
  func.func @transform_2(%arg0: i32) -> (i32, i32) {
    %c0_i32 = arith.constant 0 : i32
    %c0_i32_0 = arith.constant 0 : i32
    return %arg0, %c0_i32 : i32, i32
  }
  func.func @transform_3(%arg0: i32) -> i32 {
    %c0_i32 = arith.constant 0 : i32
    %c0_i32_0 = arith.constant 0 : i32
    return %c0_i32 : i32
  }
  func.func @transform_4(%arg0: i32) -> i32 {
    %c0_i32 = arith.constant 0 : i32
    %c0_i32_0 = arith.constant 0 : i32
    return %c0_i32 : i32
  }
  func.func @transform_5(%arg0: i32) -> i32 {
    %c0_i32 = arith.constant 0 : i32
    %c0_i32_0 = arith.constant 0 : i32
    return %c0_i32 : i32
  }
  func.func @transform_6(%arg0: i32) -> (i32, i32) {
    %c0_i32 = arith.constant 0 : i32
    %c0_i32_0 = arith.constant 0 : i32
    %c0_i32_1 = arith.constant 0 : i32
    return %c0_i32, %c0_i32_0 : i32, i32
  }
  func.func @transform_7(%arg0: i32) -> i32 {
    %c0_i32 = arith.constant 0 : i32
    %c0_i32_0 = arith.constant 0 : i32
    return %c0_i32 : i32
  }
  func.func @transform_8(%arg0: i32) -> (i32, i32) {
    %c0_i32 = arith.constant 0 : i32
    %c0_i32_0 = arith.constant 0 : i32
    return %arg0, %c0_i32 : i32, i32
  }
}

</mosaic_0001>

<sc_bundles>
// kernel: kernel.6.cloned.1.call-start
scs
__scs_entry_jumppad:
0x0: {  	(pc) =	sbr.rel $0x88, $3  }
0x1: {  	(tag) =	ssettag $0x0;
	lr =	simm.s32 $0x1  }
0x2: {  	[smem:$0x3F99] =	sst lr;
	_ =	strace $0xD0000000  }
0x3: {  	_ = 	snop  }
0x4: {  	_ = 	snop  }
0x5: {  	_ = 	snop  }
0x6: {  	_ = 	snop  }
0x7: {  	_ = 	snop  }
__scs_overlays_trampoline_lowered:
0x8: {  	[smem:$0x3FA8] =	sst s0  }
0x9: {  	[smem:$0x3FA9] =	sst s1  }
0xa: {  	[smem:$0x3FAA] =	sst s2  }
0xb: {  	[smem:$0x3FAB] =	sst s3  }
0xc: {  	[smem:$0x3FAC] =	sst s4  }
0xd: {  	[smem:$0x3FAD] =	sst s5  }
0xe: {  	[smem:$0x3FAE] =	sst s6  }
0xf: {  	[smem:$0x3FAF] =	sst s7  }
0x10: {  	[smem:$0x3FB0] =	sst s8  }
0x11: {  	[smem:$0x3FB1] =	sst s9;
	s0 =	simm.s32 @!p0 $0x0  }
0x12: {  	s1 =	sld [smem:$0x3F97];
	s0 =	simm.s32 @p0 $0x1  }
0x13: {  	[smem:$0x3FB2] =	sst s0;
	s0 =	simm.s32 @!p1 $0x0  }
0x14: {  	s2 =	sld [smem:$0x3F96];
	s0 =	simm.s32 @p1 $0x1  }
0x15: {  	[smem:$0x3FB3] =	sst s0;
	s0 =	simm.s32 @!p2 $0x0  }
0x16: {  	s3 =	sld [smem:$0x3FDB];
	s0 =	simm.s32 @p2 $0x1  }
0x17: {  	s4 =	simm.s32 $0x1BF5;
	[smem:$0x3FB5] =	sst s0  }
0x18: {  	s0 =	sld [smem:$0x3F98];
	_ =	swait.ge [sflag:s4], $0x0  }
0x19: {  	s7 =	sld [smem:$0x3F99]  }
0x1a: {  	s8 =	sadd.s32 $0xFFFFE003, lr  }
0x1b: {  	s9 =	sadd.s32 $0xFFFFFEF7, lr;
	s5 =	simm.s32 $0xFFFFFFFF;
	p2 =	slt.u32 s8, $0xFFFFF086  }
0x1c: {  	p1 =	slt.u32 s9, $0xF7A;
	s5 =	simm.s32 @!p2 $0x0  }
0x1d: {  	s5 =	simm.s32 @p1 $0x1;
	p0 =	seq.s32 s7, s2  }
0x1e: {  	s7 =	smul.u32 @!p0 $0xF7A, s2;
	p2 =	seq.s32 @!p0 s5, $0x0  }
0x1f: {  	s9 =	smul.u32 $0xF7A, s1;
	s8 =	simm.s32 @!p0 $0x1BF5;
	p2 =	por !p2, p0  }
0x20: {  	[sflag:s8] =	ssyncset.s32 @!p0 $0xFFFFF086;
	s6 =	sadd.s32 @!p0 s3, s7;
	s7 =	simm.s32 @!p0 $0x108  }
0x21: {  	s3 =	sadd.s32 s3, s9;
	s6 =	sadd.s32 @!p0 $0x88, s6;
	s7 =	simm.s32 @p2 $0x1082  }
0x22: {  	[simem:s7], [sflag:s8] =	dma.local @!p0 [hbm:s6], $0xF7A  }
0x23: {  	s9 =	sor.u32 $0xD0000000, s2;
	s6 =	simm.s32 $0x108;
	_ =	swait.ge @!p0 [sflag:s8], $0x0  }
0x24: {  	s3 =	sadd.s32 $0x88, s3;
	s6 =	simm.s32 @!p1 $0x1082;
	[sflag:s4] =	ssyncset.s32 $0xFFFFF086  }
0x25: {  	[simem:s6], [sflag:s4] =	dma.local [hbm:s3], $0xF7A  }
0x26: {  	[smem:$0x3F99] =	sst s1;
	(tag) =	ssettag s2;
	_ =	strace s9  }
0x27: {  	s1 =	sld [smem:$0x3FA9]  }
0x28: {  	s2 =	sld [smem:$0x3FAA]  }
0x29: {  	s4 =	sld [smem:$0x3FAC]  }
0x2a: {  	p0 =	seq.s32 s5, $0x0;
	s5 =	sld [smem:$0x3FAD]  }
0x2b: {  	s6 =	sld [smem:$0x3FAE]  }
0x2c: {  	s7 =	sld [smem:$0x3FAF]  }
0x2d: {  	s3 =	simm.s32 $0x108;
	s8 =	sld [smem:$0x3FB0]  }
0x2e: {  	s3 =	simm.s32 @!p0 $0x1082;
	s9 =	sld [smem:$0x3FB1]  }
0x2f: {  	lr =	sadd.s32 s0, s3;
	s0 =	sld [smem:$0x3FA8]  }
0x30: {  	s3 =	sld [smem:$0x3FAB]  }
0x31: {  	[smem:$0x3FB4] =	sst s10  }
0x32: {  	s10 =	sld [smem:$0x3FB2];
	_ =	sdelay $0x3  }
0x33: {  	p0 =	seq.s32 s10, $0x1;
	s10 =	sld [smem:$0x3FB4];
	_ =	sdelay $0x3  }
0x34: {  	[smem:$0x3FB4] =	sst s10  }
0x35: {  	s10 =	sld [smem:$0x3FB3];
	_ =	sdelay $0x3  }
0x36: {  	p1 =	seq.s32 s10, $0x1;
	s10 =	sld [smem:$0x3FB4];
	_ =	sdelay $0x3  }
0x37: {  	[smem:$0x3FB4] =	sst s10  }
0x38: {  	s10 =	sld [smem:$0x3FB5]  }
0x39: {  	_ = 	snop;
	(pc) =	sbr.ind lr, $3  }
0x3a: {  	_ = 	snop  }
0x3b: {  	_ = 	snop  }
0x3c: {  	p2 =	seq.s32 s10, $0x1;
	s10 =	sld [smem:$0x3FB4]  }
0x3d: {  	_ =	shalt  }
0x3e: {  	_ =	shalt  }
0x3f: {  	_ =	shalt  }
0x40: {  	_ =	shalt  }
0x41: {  	_ =	shalt  }
0x42: {  	_ =	shalt  }
0x43: {  	_ =	shalt  }
0x44: {  	_ =	shalt  }
0x45: {  	_ =	shalt  }
0x46: {  	_ =	shalt  }
0x47: {  	_ =	shalt  }
0x48: {  	_ =	shalt  }
0x49: {  	_ =	shalt  }
0x4a: {  	_ =	shalt  }
0x4b: {  	_ =	shalt  }
0x4c: {  	_ =	shalt  }
0x4d: {  	_ =	shalt  }
0x4e: {  	_ =	shalt  }
0x4f: {  	_ =	shalt  }
0x50: {  	_ =	shalt  }
0x51: {  	_ =	shalt  }
0x52: {  	_ =	shalt  }
0x53: {  	_ =	shalt  }
0x54: {  	_ =	shalt  }
0x55: {  	_ =	shalt  }
0x56: {  	_ =	shalt  }
0x57: {  	_ =	shalt  }
0x58: {  	_ =	shalt  }
0x59: {  	_ =	shalt  }
0x5a: {  	_ =	shalt  }
0x5b: {  	_ =	shalt  }
0x5c: {  	_ =	shalt  }
0x5d: {  	_ =	shalt  }
0x5e: {  	_ =	shalt  }
0x5f: {  	_ =	shalt  }
0x60: {  	_ =	shalt  }
0x61: {  	_ =	shalt  }
0x62: {  	_ =	shalt  }
0x63: {  	_ =	shalt  }
0x64: {  	_ =	shalt  }
0x65: {  	_ =	shalt  }
0x66: {  	_ =	shalt  }
0x67: {  	_ =	shalt  }
0x68: {  	_ =	shalt  }
0x69: {  	_ =	shalt  }
0x6a: {  	_ =	shalt  }
0x6b: {  	_ =	shalt  }
0x6c: {  	_ =	shalt  }
0x6d: {  	_ =	shalt  }
0x6e: {  	_ =	shalt  }
0x6f: {  	_ =	shalt  }
0x70: {  	_ =	shalt  }
0x71: {  	_ =	shalt  }
0x72: {  	_ =	shalt  }
0x73: {  	_ =	shalt  }
0x74: {  	_ =	shalt  }
0x75: {  	_ =	shalt  }
0x76: {  	_ =	shalt  }
0x77: {  	_ =	shalt  }
0x78: {  	_ =	shalt  }
0x79: {  	_ =	shalt  }
0x7a: {  	_ =	shalt  }
0x7b: {  	_ =	shalt  }
0x7c: {  	_ =	shalt  }
0x7d: {  	_ =	shalt  }
0x7e: {  	_ =	shalt  }
0x7f: {  	_ =	shalt  }
0x80: {  	_ =	shalt  }
0x81: {  	_ =	shalt  }
0x82: {  	_ =	shalt  }
0x83: {  	_ =	shalt  }
0x84: {  	_ =	shalt  }
0x85: {  	_ =	shalt  }
0x86: {  	_ =	shalt  }
0x87: {  	_ =	shalt  }
.Lfunc_end0:
.L_simem_size_0:
called_computation_lowered:
.L_overlay_start_0:
0x88: {  	s2 =	sld [smem:$0x3FD9]  }
0x89: {  	s3 =	sld [smem:$0x3FFE];
	_ =	sdelay $0x1  }
0x8a: {  	s1 =	srdreg.scid  }
0x8b: {  	s0 =	sand.u32 $0x1, s1  }
0x8c: {  	s14 =	sshll.u32 s0, $0xA;
	s2 =	sadd.s32 s3, s2  }
0x8d: {  	s2 =	sadd.s32 s2, s14  }
0x8e: {  	[smem:$0x3FC0] =	sst s2  }
0x8f: {  	_ = 	snop  }
0x90: {  	s2 =	sld [smem:$0x3FD0];
	_ =	sdelay $0x2  }
0x91: {  	s15 =	simm.s32 $0xA;
	s4 =	simm.s32 $0x10  }
0x92: {  	[smem:s4], [sflag:s15] =	dma.local [hbm:s2], $0x1  }
0x93: {  	_ =	swait.eq [sflag:s15], $0x1  }
0x94: {  	[sflag:s15] =	ssyncset.done $0x0  }
0x95: {  	[sflag:s15] =	ssyncadd.s32 $0xFFFFFFFF  }
0x96: {  	s16 =	sld [smem:$0x11];
	(tm) =	ssettm $0x1  }
0x97: {  	s17 =	sld [smem:$0x3FFB];
	_ =	sdelay $0x3  }
0x98: {  	_ =	strace s17  }
0x99: {  	s3 =	sld [smem:$0x3FFC];
	_ =	sdelay $0x3  }
0x9a: {  	_ =	strace s3  }
0x9b: {  	s3 =	sld [smem:$0x3FFD];
	_ =	sdelay $0x3  }
0x9c: {  	_ =	strace s3  }
0x9d: {  	_ =	strace $0x8FFFFFFF  }
0x9e: {  	s18 =	sld [smem:$0x3FDB];
	_ =	sdelay $0x1  }
0x9f: {  	s19 =	simm.s32 $_scs_section_size  }
0xa0: {  	s5 =	simm.s32 $_size__tile_overlayer_lowered;
	s6 =	simm.s32 $_tile_overlayer_lowered  }
0xa1: {  	s22 =	simm.s32 $0x1BFF;
	s21 =	sshll.u32 s6, $0x1;
	s3 =	sadd.s32 s19, s18  }
0xa2: {  	s7 =	simm.s32 $0x0;
	s20 =	sshll.u32 s5, $0x1;
	s5 =	sadd.s32 s21, s3  }
0xa3: {  	[timem:s7], [sflag:s22] =	dma.local [hbm:s5], s20  }
0xa4: {  	_ =	swait.ge [sflag:s22], s20  }
0xa5: {  	s4 =	ssub.s32 $0x0, s20;
	[sflag:s22] =	ssyncset.done $0x0  }
0xa6: {  	[sflag:s22] =	ssyncadd.s32 s4;
	_ =	sdelay $0x1  }
0xa7: {  	s23 =	simm.s32 $0x1B8B  }
0xa8: {  	_ =	swait.ge [sflag:s23], $0x1  }
0xa9: {  	[sflag:s23] =	ssyncset.done $0x0  }
0xaa: {  	s25 =	simm.s32 $0x1B8E;
	s24 =	sld [smem:$0x3FFE];
	[sflag:s23] =	ssyncadd.s32 $0xFFFFFFFF  }
0xab: {  	s26 =	simm.s32 $execute0_lowered;
	[smem:$0x3FD2] =	sst s25  }
0xac: {  	s5 =	sshll.u32 s26, $0x1;
	_ =	strace $0x80000046;
	[dreg:$0x1] =	wrdreg $0xFFFFFFFF  }
0xad: {  	s28 =	simm.s32 $_size_execute0_lowered;
	s3 =	sadd.s32 s3, s5;
	[dreg:$0x0] =	wrdreg $0x0  }
0xae: {  	s5 =	sshll.u32 s28, $0x1;
	[dreg:$0x2] =	wrdreg s3  }
0xaf: {  	[dreg:$0x3] =	wrdreg s5  }
0xb0: {  	[dreg:$0x4] =	wrdreg $0xC0  }
0xb1: {  	_ =	task [dreg:s7], $0x5FFFF  }
0xb2: {  	[dreg:$0x1] =	wrdreg $0xFFFFFFFF  }
0xb3: {  	[dreg:$0x0] =	wrdreg $0x60  }
0xb4: {  	[dreg:$0x2] =	wrdreg s24  }
0xb5: {  	[dreg:$0x3] =	wrdreg s16  }
0xb6: {  	[dreg:$0x4] =	wrdreg $0x4F400  }
0xb7: {  	[dreg:$0x5] =	wrdreg $0x9  }
0xb8: {  	_ =	task.clear_ibuf [dreg:s7], $0x6FFFF;
	_ =	strace $0x90000046  }
0xb9: {  	s29 =	simm.s32 $0x9;
	_ =	strace $0x80000048  }
0xba: {  	_ =	swait.ge [sflag:s29], $0x1  }
0xbb: {  	[sflag:s29] =	ssyncadd.s32 $0xFFFFFFFF  }
0xbc: {  	_ =	strace $0x90000048  }
0xbd: {  	_ =	sfence  }
0xbe: {  	s30 =	sld [smem:$0x0];
	_ =	sdelay $0x2  }
0xbf: {  	s31 =	sshll.u32 s1, $0xD;
	s1 =	sshrl.u32 s1, $0x2  }
0xc0: {  	s3 =	sand.u32 $0x4000, s31;
	s1 =	sadd.s32 s1, s30  }
0xc1: {  	s0 =	sor.u32 s3, s0;
	s1 =	sshll.u32 s1, $0x11  }
0xc2: {  	s0 =	sor.u32 s1, s0  }
0xc3: {  	s0 =	sadd.s32 $0x8F2B, s0  }
0xc4: {  	[sflag:s0] =	ssyncadd.remote.s32 $0x1  }
0xc5: {  	_ =	sfence.sel $0xFFFF  }
0xc6: {  	[dreg:$0x0] =	wrdreg $0xFFFFFFFF;
	(pc) =	sbr.abs _section_cstart, $3  }
0xc7: {  	[dreg:$0x1] =	wrdreg $0xFFFFFFFF  }
0xc8: {  	_ =	task.clear_ibuf [dreg:s7], $0x2FFFF;
	_ =	strace $0x9FFFFFFF  }
0xc9: {  	(tm) =	ssettm $0x7FFFFFFF  }
tec
execute0_lowered:
.L_overlay_start_1:
0x0: {  	(tag) =	ssettag $0x1  }
0x1: {  	s5 =	rddreg [dreg:$0x0]  }
0x2: {  	s6 =	rddreg [dreg:$0x1]  }
0x3: {  	s0 =	srdreg.scid;
	s2 =	rddreg [dreg:$0x2];
	s3 =	simm.s32 $0x0  }
0x4: {  	s11 =	simm.s32 $0x1;
	s4 =	sand.u32 $0x1, s0;
	s0 =	stileid.u32  }
0x5: {  	[smem:$0x7FF] =	sst s3;
	s1 =	sshll.u32 s4, $0x4;
	s8 =	smul.u32 $0x2800, s0  }
0x6: {  	s9 =	ssub.s32 $0x2, s4;
	s4 =	smul.u32 $0x28000, s4;
	s12 =	sshll.u32 s0, $0x6  }
0x7: {  	s1 =	sor.u32 s0, s1;
	s10 =	sshrl.u32 s9, $0x1;
	s12 =	sor.u32 $0x1C02, s12  }
0x8: {  	s7 =	smul.u32 $0x4E8, s1;
	s1 =	rddreg [dreg:$0x3];
	_ =	strace $0x80000047  }
0x9: {  	s29 =	ssub.s32 s9, s10;
	s30 =	sadd.s32 s8, s4;
	s4 =	sadd.s32 s8, s2  }
0xa: {  	s8 =	simm.s32 $0x2740;
	s9 =	simm.s32 $0x2;
	s10 =	simm.s32 $0x40  }
0xb: {  	s31 =	sshrl.u32 s30, $0x3;
	s13 =	sshrl.u32 s4, $0x3;
	s5 =	sadd.s32 s7, s5  }
0xc: {  	v0 =	vimm.f32 $0.0e+00;
	v1 =	vimm.f32 $1.000000000e+00;
	s6 =	sadd.s32 s6, s31;
	s7 =	smax.u32 s29, $0x1;
	s5 =	sadd.s32 $0x2200, s5  }
.LBB2_1:
0xd: {  	s14 =	simm.s32 $0x40;
	s15 =	simm.s32 $0x0  }
.LBB2_2:
0xe: {  	p0 =	sne.s32 s14, $0x9FC0;
	[tilespmem:s15+$0x2740] =	vst v0;
	s15 =	smov.u32 s14;
	s14 =	sadd.s32 $0x40, s14  }
.Ltmp0:
0xf: {  	(pc) =	sbr.rel @p0 .LBB2_2-.Ltmp0, $2  }
0x10: {  	_ =	sdelay $0x2  }
0x11: {  	s15 =	sshra.s32 s15, $0x2  }
0x12: {  	[tilespmem:s15+$0x2740] =	vst v0  }
0x13: {  	[spmem:s4] =	stream.linear.scatter [tilespmem:s8], [sflag:$0x2], $0x2800, $0x38;
	[tilespmem:$0x7740] =	vst v63  }
0x14: {  	_ =	swait.ge [sflag:s9], $0x2800  }
0x15: {  	[sflag:s9] =	ssyncset.done $0x0  }
0x16: {  	s14 =	simm.s32 $0x0;
	[sflag:s9] =	ssyncadd.s32 $0xFFFFD800  }
0x17: {  	[tilespmem:s14], [sflag:$0x2] =	stream.linear.gather [hbm4b:s5+s14], $0x2740, $0x38;
	[tilespmem:$0x7740] =	vst v63  }
0x18: {  	_ =	swait.ge [sflag:s9], $0x2740  }
0x19: {  	[sflag:s9] =	ssyncset.done $0x0  }
0x1a: {  	s15 =	simm.s32 $0x0;
	s14 =	simm.s32 $0x40;
	[sflag:s9] =	ssyncadd.s32 $0xFFFFD8C0  }
.LBB2_4:
0x1b: {  	p0 =	sne.s32 s14, $0xFC0;
	[tilespmem:s15+$0x2740] =	vst v1;
	s15 =	smov.u32 s14;
	s14 =	sadd.s32 $0x40, s14  }
.Ltmp1:
0x1c: {  	(pc) =	sbr.rel @p0 .LBB2_4-.Ltmp1, $2  }
0x1d: {  	_ =	sdelay $0x2  }
0x1e: {  	s15 =	sshra.s32 s15, $0x2  }
0x1f: {  	[tilespmem:s15+$0x2740] =	vst v1  }
0x20: {  	s14 =	simm.s32 $0x0;
	[bflag:$0x0] =	sbarrier.arrive $0xFFFF  }
.LBB2_6:
0x21: {  	p0 =	sne.s32 s14, $0x9C00  }
.Ltmp2:
0x22: {  	_ = 	snop;
	(pc) =	sbr.rel @p0 .LBB2_6-.Ltmp2, $3  }
0x23: {  	_ =	sdelay $0x1  }
0x24: {  	s15 =	sshra.s32 s14, $0x2;
	s14 =	sadd.s32 $0x100, s14  }
0x25: {  	[spmem:s2] =	stream.indirect.scatter.add.f32 [tilespmem:s8], [sflag:$0x1], $0x10, s15, s10, $0xb8;
	[tilespmem:$0x7740] =	vst v63  }
0x26: {  	_ =	swait.ge [sflag:s11], $0x400  }
0x27: {  	s14 =	simm.s32 $0x9C;
	[sflag:s11] =	ssyncset.done $0x0  }
.LBB2_8:
0x28: {  	p0 =	sne.s32 s14, $0x1;
	s14 =	sadd.s32 $0xFFFFFFFF, s14;
	[sflag:s11] =	ssyncadd.s32 $0xFFFFFC00  }
.Ltmp3:
0x29: {  	(pc) =	sbr.rel @p0 .LBB2_8-.Ltmp3, $3  }
0x2a: {  	_ =	sdelay $0x1  }
0x2b: {  	_ =	swait.ge [sflag:s11], $0x400  }
0x2c: {  	[sflag:s11] =	ssyncset.done $0x0  }
0x2d: {  	s3 =	sadd.s32 $0x1, s3  }
0x2e: {  	[sflag:s11] =	ssyncadd.s32 $0xFFFFFC00;
	p0 =	sne.s32 s3, s7  }
.Ltmp4:
0x2f: {  	[bflag:$0x0] =	sbarrier.arrive $0xFFFF;
	(pc) =	sbr.rel @p0 .LBB2_1-.Ltmp4, $4  }
0x30: {  	[hbm:s6], [sflag:s12] =	dma.local [spmem:s13], $0x500  }
0x31: {  	_ =	swait.ge [sflag:s9], $0x500  }
0x32: {  	[sflag:s9] =	ssyncset.done $0x0  }
0x33: {  	[sflag:s9] =	ssyncadd.s32 $0xFFFFFB00  }
0x34: {  	_ =	sfence.sel $0x180000  }
0x35: {  	[bflag:$0x0] =	sbarrier.arrive $0xFFFF  }
0x36: {  	p0 =	sne.s32 s0, $0x0;
	_ =	strace $0x90000047  }
0x37: {  	s0 =	sadd.s32 @!p0 $0x100000, s1;
	[bflag:$0x2] =	sbarrier.arrive $0xFFFF  }
0x38: {  	[sflag:s0] =	ssyncadd.tile.s32 @!p0 $0x1;
	_ =	shalt  }
.Lfunc_end2:
_tile_overlayer_lowered:
.L_overlay_start_2:
0x39: {  	(tag) =	ssettag $0x2  }
0x3a: {  	s0 =	rddreg [dreg:$0x0];
	s2 =	stileid.u32  }
0x3b: {  	s1 =	rddreg [dreg:$0x1];
	p0 =	sne.s32 s2, $0x0  }
0x3c: {  	s3 =	rddreg [dreg:$0x2];
	[bflag:$0x3] =	sbarrier.arrive $0xFFFF;
	s2 =	simm.s32 @!p0 $0x1C02  }
0x3d: {  	[timem:s3], [sflag:s2] =	dma.local @!p0 [hbm:s0], s1  }
0x3e: {  	s0 =	simm.s32 @!p0 $0x2  }
0x3f: {  	_ =	swait.ge @!p0 [sflag:s0], s1  }
0x40: {  	s1 =	ssub.s32 @!p0 $0x0, s1;
	[sflag:s0] =	ssyncset.done @!p0 $0x0  }
0x41: {  	[sflag:s0] =	ssyncadd.s32 @!p0 s1  }
0x42: {  	[bflag:$0x3] =	sbarrier.arrive $0xFFFF  }
0x43: {  	_ =	shalt  }

// kernel: kernel.9.cloned.1.call-start
scs
__scs_entry_jumppad:
0x0: {  	(pc) =	sbr.rel $0x88, $3  }
0x1: {  	(tag) =	ssettag $0x0;
	lr =	simm.s32 $0x1  }
0x2: {  	[smem:$0x3F99] =	sst lr;
	_ =	strace $0xD0000000  }
0x3: {  	_ = 	snop  }
0x4: {  	_ = 	snop  }
0x5: {  	_ = 	snop  }
0x6: {  	_ = 	snop  }
0x7: {  	_ = 	snop  }
__scs_overlays_trampoline_lowered:
0x8: {  	[smem:$0x3FA8] =	sst s0  }
0x9: {  	[smem:$0x3FA9] =	sst s1  }
0xa: {  	[smem:$0x3FAA] =	sst s2  }
0xb: {  	[smem:$0x3FAB] =	sst s3  }
0xc: {  	[smem:$0x3FAC] =	sst s4  }
0xd: {  	[smem:$0x3FAD] =	sst s5  }
0xe: {  	[smem:$0x3FAE] =	sst s6  }
0xf: {  	[smem:$0x3FAF] =	sst s7  }
0x10: {  	[smem:$0x3FB0] =	sst s8  }
0x11: {  	[smem:$0x3FB1] =	sst s9;
	s0 =	simm.s32 @!p0 $0x0  }
0x12: {  	s1 =	sld [smem:$0x3F97];
	s0 =	simm.s32 @p0 $0x1  }
0x13: {  	[smem:$0x3FB2] =	sst s0;
	s0 =	simm.s32 @!p1 $0x0  }
0x14: {  	s2 =	sld [smem:$0x3F96];
	s0 =	simm.s32 @p1 $0x1  }
0x15: {  	[smem:$0x3FB3] =	sst s0;
	s0 =	simm.s32 @!p2 $0x0  }
0x16: {  	s3 =	sld [smem:$0x3FDB];
	s0 =	simm.s32 @p2 $0x1  }
0x17: {  	s4 =	simm.s32 $0x1BF5;
	[smem:$0x3FB5] =	sst s0  }
0x18: {  	s0 =	sld [smem:$0x3F98];
	_ =	swait.ge [sflag:s4], $0x0  }
0x19: {  	s7 =	sld [smem:$0x3F99]  }
0x1a: {  	s8 =	sadd.s32 $0xFFFFE003, lr  }
0x1b: {  	s9 =	sadd.s32 $0xFFFFFEF7, lr;
	s5 =	simm.s32 $0xFFFFFFFF;
	p2 =	slt.u32 s8, $0xFFFFF086  }
0x1c: {  	p1 =	slt.u32 s9, $0xF7A;
	s5 =	simm.s32 @!p2 $0x0  }
0x1d: {  	s5 =	simm.s32 @p1 $0x1;
	p0 =	seq.s32 s7, s2  }
0x1e: {  	s7 =	smul.u32 @!p0 $0xF7A, s2;
	p2 =	seq.s32 @!p0 s5, $0x0  }
0x1f: {  	s9 =	smul.u32 $0xF7A, s1;
	s8 =	simm.s32 @!p0 $0x1BF5;
	p2 =	por !p2, p0  }
0x20: {  	[sflag:s8] =	ssyncset.s32 @!p0 $0xFFFFF086;
	s6 =	sadd.s32 @!p0 s3, s7;
	s7 =	simm.s32 @!p0 $0x108  }
0x21: {  	s3 =	sadd.s32 s3, s9;
	s6 =	sadd.s32 @!p0 $0x88, s6;
	s7 =	simm.s32 @p2 $0x1082  }
0x22: {  	[simem:s7], [sflag:s8] =	dma.local @!p0 [hbm:s6], $0xF7A  }
0x23: {  	s9 =	sor.u32 $0xD0000000, s2;
	s6 =	simm.s32 $0x108;
	_ =	swait.ge @!p0 [sflag:s8], $0x0  }
0x24: {  	s3 =	sadd.s32 $0x88, s3;
	s6 =	simm.s32 @!p1 $0x1082;
	[sflag:s4] =	ssyncset.s32 $0xFFFFF086  }
0x25: {  	[simem:s6], [sflag:s4] =	dma.local [hbm:s3], $0xF7A  }
0x26: {  	[smem:$0x3F99] =	sst s1;
	(tag) =	ssettag s2;
	_ =	strace s9  }
0x27: {  	s1 =	sld [smem:$0x3FA9]  }
0x28: {  	s2 =	sld [smem:$0x3FAA]  }
0x29: {  	s4 =	sld [smem:$0x3FAC]  }
0x2a: {  	p0 =	seq.s32 s5, $0x0;
	s5 =	sld [smem:$0x3FAD]  }
0x2b: {  	s6 =	sld [smem:$0x3FAE]  }
0x2c: {  	s7 =	sld [smem:$0x3FAF]  }
0x2d: {  	s3 =	simm.s32 $0x108;
	s8 =	sld [smem:$0x3FB0]  }
0x2e: {  	s3 =	simm.s32 @!p0 $0x1082;
	s9 =	sld [smem:$0x3FB1]  }
0x2f: {  	lr =	sadd.s32 s0, s3;
	s0 =	sld [smem:$0x3FA8]  }
0x30: {  	s3 =	sld [smem:$0x3FAB]  }
0x31: {  	[smem:$0x3FB4] =	sst s10  }
0x32: {  	s10 =	sld [smem:$0x3FB2];
	_ =	sdelay $0x3  }
0x33: {  	p0 =	seq.s32 s10, $0x1;
	s10 =	sld [smem:$0x3FB4];
	_ =	sdelay $0x3  }
0x34: {  	[smem:$0x3FB4] =	sst s10  }
0x35: {  	s10 =	sld [smem:$0x3FB3];
	_ =	sdelay $0x3  }
0x36: {  	p1 =	seq.s32 s10, $0x1;
	s10 =	sld [smem:$0x3FB4];
	_ =	sdelay $0x3  }
0x37: {  	[smem:$0x3FB4] =	sst s10  }
0x38: {  	s10 =	sld [smem:$0x3FB5]  }
0x39: {  	_ = 	snop;
	(pc) =	sbr.ind lr, $3  }
0x3a: {  	_ = 	snop  }
0x3b: {  	_ = 	snop  }
0x3c: {  	p2 =	seq.s32 s10, $0x1;
	s10 =	sld [smem:$0x3FB4]  }
0x3d: {  	_ =	shalt  }
0x3e: {  	_ =	shalt  }
0x3f: {  	_ =	shalt  }
0x40: {  	_ =	shalt  }
0x41: {  	_ =	shalt  }
0x42: {  	_ =	shalt  }
0x43: {  	_ =	shalt  }
0x44: {  	_ =	shalt  }
0x45: {  	_ =	shalt  }
0x46: {  	_ =	shalt  }
0x47: {  	_ =	shalt  }
0x48: {  	_ =	shalt  }
0x49: {  	_ =	shalt  }
0x4a: {  	_ =	shalt  }
0x4b: {  	_ =	shalt  }
0x4c: {  	_ =	shalt  }
0x4d: {  	_ =	shalt  }
0x4e: {  	_ =	shalt  }
0x4f: {  	_ =	shalt  }
0x50: {  	_ =	shalt  }
0x51: {  	_ =	shalt  }
0x52: {  	_ =	shalt  }
0x53: {  	_ =	shalt  }
0x54: {  	_ =	shalt  }
0x55: {  	_ =	shalt  }
0x56: {  	_ =	shalt  }
0x57: {  	_ =	shalt  }
0x58: {  	_ =	shalt  }
0x59: {  	_ =	shalt  }
0x5a: {  	_ =	shalt  }
0x5b: {  	_ =	shalt  }
0x5c: {  	_ =	shalt  }
0x5d: {  	_ =	shalt  }
0x5e: {  	_ =	shalt  }
0x5f: {  	_ =	shalt  }
0x60: {  	_ =	shalt  }
0x61: {  	_ =	shalt  }
0x62: {  	_ =	shalt  }
0x63: {  	_ =	shalt  }
0x64: {  	_ =	shalt  }
0x65: {  	_ =	shalt  }
0x66: {  	_ =	shalt  }
0x67: {  	_ =	shalt  }
0x68: {  	_ =	shalt  }
0x69: {  	_ =	shalt  }
0x6a: {  	_ =	shalt  }
0x6b: {  	_ =	shalt  }
0x6c: {  	_ =	shalt  }
0x6d: {  	_ =	shalt  }
0x6e: {  	_ =	shalt  }
0x6f: {  	_ =	shalt  }
0x70: {  	_ =	shalt  }
0x71: {  	_ =	shalt  }
0x72: {  	_ =	shalt  }
0x73: {  	_ =	shalt  }
0x74: {  	_ =	shalt  }
0x75: {  	_ =	shalt  }
0x76: {  	_ =	shalt  }
0x77: {  	_ =	shalt  }
0x78: {  	_ =	shalt  }
0x79: {  	_ =	shalt  }
0x7a: {  	_ =	shalt  }
0x7b: {  	_ =	shalt  }
0x7c: {  	_ =	shalt  }
0x7d: {  	_ =	shalt  }
0x7e: {  	_ =	shalt  }
0x7f: {  	_ =	shalt  }
0x80: {  	_ =	shalt  }
0x81: {  	_ =	shalt  }
0x82: {  	_ =	shalt  }
0x83: {  	_ =	shalt  }
0x84: {  	_ =	shalt  }
0x85: {  	_ =	shalt  }
0x86: {  	_ =	shalt  }
0x87: {  	_ =	shalt  }
.Lfunc_end0:
.L_simem_size_0:
called_computation.1_lowered:
.L_overlay_start_0:
0x88: {  	s2 =	sld [smem:$0x3FD9]  }
0x89: {  	s3 =	sld [smem:$0x3FFE];
	_ =	sdelay $0x1  }
0x8a: {  	s1 =	srdreg.scid  }
0x8b: {  	s0 =	sand.u32 $0x1, s1  }
0x8c: {  	s14 =	sshll.u32 s0, $0xA;
	s2 =	sadd.s32 s3, s2  }
0x8d: {  	s2 =	sadd.s32 s2, s14  }
0x8e: {  	[smem:$0x3FC0] =	sst s2  }
0x8f: {  	_ = 	snop  }
0x90: {  	s2 =	sld [smem:$0x3FD0];
	_ =	sdelay $0x2  }
0x91: {  	s15 =	simm.s32 $0xA;
	s4 =	simm.s32 $0x10  }
0x92: {  	[smem:s4], [sflag:s15] =	dma.local [hbm:s2], $0x1  }
0x93: {  	_ =	swait.eq [sflag:s15], $0x1  }
0x94: {  	[sflag:s15] =	ssyncset.done $0x0  }
0x95: {  	[sflag:s15] =	ssyncadd.s32 $0xFFFFFFFF  }
0x96: {  	s16 =	sld [smem:$0x10];
	(tm) =	ssettm $0x1  }
0x97: {  	s17 =	sld [smem:$0x3FFB];
	_ =	sdelay $0x3  }
0x98: {  	_ =	strace s17  }
0x99: {  	s3 =	sld [smem:$0x3FFC];
	_ =	sdelay $0x3  }
0x9a: {  	_ =	strace s3  }
0x9b: {  	s3 =	sld [smem:$0x3FFD];
	_ =	sdelay $0x3  }
0x9c: {  	_ =	strace s3  }
0x9d: {  	_ =	strace $0x8FFFFFFF  }
0x9e: {  	s18 =	sld [smem:$0x3FDB];
	_ =	sdelay $0x1  }
0x9f: {  	s19 =	simm.s32 $_scs_section_size  }
0xa0: {  	s5 =	simm.s32 $_size__tile_overlayer_lowered;
	s6 =	simm.s32 $_tile_overlayer_lowered  }
0xa1: {  	s22 =	simm.s32 $0x1BFF;
	s21 =	sshll.u32 s6, $0x1;
	s3 =	sadd.s32 s19, s18  }
0xa2: {  	s7 =	simm.s32 $0x0;
	s20 =	sshll.u32 s5, $0x1;
	s5 =	sadd.s32 s21, s3  }
0xa3: {  	[timem:s7], [sflag:s22] =	dma.local [hbm:s5], s20  }
0xa4: {  	_ =	swait.ge [sflag:s22], s20  }
0xa5: {  	s4 =	ssub.s32 $0x0, s20;
	[sflag:s22] =	ssyncset.done $0x0  }
0xa6: {  	[sflag:s22] =	ssyncadd.s32 s4;
	_ =	sdelay $0x1  }
0xa7: {  	s23 =	simm.s32 $0x1B8B  }
0xa8: {  	_ =	swait.ge [sflag:s23], $0x1  }
0xa9: {  	[sflag:s23] =	ssyncset.done $0x0  }
0xaa: {  	s25 =	simm.s32 $0x1B8E;
	s24 =	sld [smem:$0x3FFE];
	[sflag:s23] =	ssyncadd.s32 $0xFFFFFFFF  }
0xab: {  	s26 =	simm.s32 $execute0_lowered;
	[smem:$0x3FD2] =	sst s25  }
0xac: {  	s5 =	sshll.u32 s26, $0x1;
	_ =	strace $0x80000049;
	[dreg:$0x1] =	wrdreg $0xFFFFFFFF  }
0xad: {  	s28 =	simm.s32 $_size_execute0_lowered;
	s3 =	sadd.s32 s3, s5;
	[dreg:$0x0] =	wrdreg $0x0  }
0xae: {  	s5 =	sshll.u32 s28, $0x1;
	[dreg:$0x2] =	wrdreg s3  }
0xaf: {  	[dreg:$0x3] =	wrdreg s5  }
0xb0: {  	[dreg:$0x4] =	wrdreg $0xC0  }
0xb1: {  	_ =	task [dreg:s7], $0x5FFFF  }
0xb2: {  	[dreg:$0x1] =	wrdreg $0xFFFFFFFF  }
0xb3: {  	[dreg:$0x0] =	wrdreg $0x60  }
0xb4: {  	[dreg:$0x2] =	wrdreg s24  }
0xb5: {  	[dreg:$0x3] =	wrdreg s16  }
0xb6: {  	[dreg:$0x4] =	wrdreg $0xBE800  }
0xb7: {  	[dreg:$0x5] =	wrdreg $0x9  }
0xb8: {  	_ =	task.clear_ibuf [dreg:s7], $0x6FFFF;
	_ =	strace $0x90000049  }
0xb9: {  	s29 =	simm.s32 $0x9;
	_ =	strace $0x8000004B  }
0xba: {  	_ =	swait.ge [sflag:s29], $0x1  }
0xbb: {  	[sflag:s29] =	ssyncadd.s32 $0xFFFFFFFF  }
0xbc: {  	_ =	strace $0x9000004B  }
0xbd: {  	_ =	sfence  }
0xbe: {  	s30 =	sld [smem:$0x0];
	_ =	sdelay $0x2  }
0xbf: {  	s31 =	sshll.u32 s1, $0xD;
	s1 =	sshrl.u32 s1, $0x2  }
0xc0: {  	s3 =	sand.u32 $0x4000, s31;
	s1 =	sadd.s32 s1, s30  }
0xc1: {  	s0 =	sor.u32 s3, s0;
	s1 =	sshll.u32 s1, $0x11  }
0xc2: {  	s0 =	sor.u32 s1, s0  }
0xc3: {  	s0 =	sadd.s32 $0x8F2B, s0  }
0xc4: {  	[sflag:s0] =	ssyncadd.remote.s32 $0x1  }
0xc5: {  	_ =	sfence.sel $0xFFFF  }
0xc6: {  	[dreg:$0x0] =	wrdreg $0xFFFFFFFF;
	(pc) =	sbr.abs _section_cstart, $3  }
0xc7: {  	[dreg:$0x1] =	wrdreg $0xFFFFFFFF  }
0xc8: {  	_ =	task.clear_ibuf [dreg:s7], $0x2FFFF;
	_ =	strace $0x9FFFFFFF  }
0xc9: {  	(tm) =	ssettm $0x7FFFFFFF  }
tec
execute0_lowered:
.L_overlay_start_1:
0x0: {  	(tag) =	ssettag $0x1  }
0x1: {  	s0 =	rddreg [dreg:$0x0]  }
0x2: {  	s1 =	rddreg [dreg:$0x1]  }
0x3: {  	s2 =	rddreg [dreg:$0x2];
	s3 =	srdreg.scid  }
0x4: {  	s4 =	simm.s32 $0x0;
	s8 =	stileid.u32;
	s31 =	simm.s32 $0xAE80  }
0x5: {  	s3 =	sand.u32 $0x1, s3;
	[smem:$0x7FF] =	sst s4;
	s7 =	smul.u32 $0x14000, s8  }
0x6: {  	s5 =	sshll.u32 s3, $0x4;
	s6 =	smul.u32 $0x140000, s3;
	_ =	strace $0x8000004A  }
0x7: {  	s3 =	ssub.s32 $0x2, s3;
	s5 =	sor.u32 s8, s5;
	s8 =	smul.u32 $0x50000, s8  }
0x8: {  	s26 =	sshrl.u32 s3, $0x1;
	s12 =	sadd.s32 s7, s2;
	s5 =	smul.u32 $0x4E8, s5  }
0x9: {  	s6 =	sadd.s32 s7, s6;
	s3 =	ssub.s32 s3, s26;
	s7 =	simm.s32 $0x2  }
0xa: {  	s25 =	sshrl.u32 s6, $0x3;
	s8 =	sshrl.u32 s8, $0x2;
	s3 =	smax.u32 s3, $0x1  }
0xb: {  	s6 =	simm.s32 $0x40;
	s9 =	sadd.s32 s5, s0;
	s0 =	sadd.s32 s25, s0  }
0xc: {  	s5 =	sadd.s32 s8, s2;
	[dreg:$0x7] =	wrdreg s3;
	s3 =	simm.s32 $0x1  }
0xd: {  	s10 =	sadd.s32 $0xC000, s9;
	s11 =	sadd.s32 $0x2200, s9;
	s0 =	sadd.s32 $0x15E00, s0  }
0xe: {  	s24 =	sadd.s32 $0x1000, s5;
	s25 =	sadd.s32 $0x2000, s5;
	s26 =	sadd.s32 $0x3000, s5  }
0xf: {  	s13 =	sadd.s32 $0x4000, s5;
	s14 =	sadd.s32 $0x5000, s5;
	s15 =	sadd.s32 $0x6000, s5  }
0x10: {  	s16 =	sadd.s32 $0x7000, s5;
	s17 =	sadd.s32 $0x8000, s5;
	[dreg:$0x4] =	wrdreg s10  }
0x11: {  	s18 =	sadd.s32 $0x9000, s5;
	s19 =	sadd.s32 $0xA000, s5;
	[dreg:$0x5] =	wrdreg s11  }
0x12: {  	s20 =	sadd.s32 $0xB000, s5;
	s21 =	sadd.s32 $0xC000, s5;
	[dreg:$0x6] =	wrdreg s0  }
0x13: {  	s22 =	sadd.s32 $0xD000, s5;
	s23 =	sadd.s32 $0xE000, s5;
	[dreg:$0x8] =	wrdreg s24  }
0x14: {  	s28 =	sadd.s32 $0x11000, s5;
	s29 =	sadd.s32 $0x12000, s5;
	[dreg:$0x9] =	wrdreg s25  }
0x15: {  	s30 =	sadd.s32 $0x13000, s5;
	[dreg:$0xa] =	wrdreg s26;
	s24 =	sadd.s32 $0xF000, s5  }
0x16: {  	v0 =	vimm.f32 $0.0e+00;
	s25 =	sshrl.u32 s12, $0x3;
	s26 =	sadd.s32 $0x10000, s5;
	s0 =	simm.s32 $0x3  }
.LBB2_1:
0x17: {  	s8 =	simm.s32 $0x0;
	s9 =	simm.s32 $0x200  }
.LBB2_2:
0x18: {  	p0 =	sne.s32 s9, $0x3E00;
	[tilespmem:s8+$0xAEF0] =	vst v0  }
0x19: {  	[tilespmem:s8+$0xAE80] =	vst v0  }
0x1a: {  	[tilespmem:s8+$0xAE90] =	vst v0  }
.Ltmp0:
0x1b: {  	[tilespmem:s8+$0xAEA0] =	vst v0;
	(pc) =	sbr.rel @p0 .LBB2_2-.Ltmp0, $4  }
0x1c: {  	[tilespmem:s8+$0xAEB0] =	vst v0  }
0x1d: {  	[tilespmem:s8+$0xAEC0] =	vst v0  }
0x1e: {  	[tilespmem:s8+$0xAED0] =	vst v0  }
0x1f: {  	[tilespmem:s8+$0xAEE0] =	vst v0;
	s8 =	sshra.s32 s9, $0x2;
	s9 =	sadd.s32 $0x200, s9  }
0x20: {  	[tilespmem:s8+$0xAEF0] =	vst v0  }
0x21: {  	[tilespmem:s8+$0xAE80] =	vst v0  }
0x22: {  	[tilespmem:s8+$0xAE90] =	vst v0  }
0x23: {  	[tilespmem:s8+$0xAEA0] =	vst v0  }
0x24: {  	[tilespmem:s8+$0xAEB0] =	vst v0  }
0x25: {  	[tilespmem:s8+$0xAEC0] =	vst v0  }
0x26: {  	[tilespmem:s8+$0xAED0] =	vst v0  }
0x27: {  	[tilespmem:s8+$0xAEE0] =	vst v0  }
0x28: {  	[spmem:s5] =	stream.linear.scatter [tilespmem:s31], [sflag:$0x1], $0x1000, $0x38;
	[tilespmem:$0x1FE80] =	vst v63  }
0x29: {  	s12 =	rddreg [dreg:$0x8]  }
0x2a: {  	[spmem:s12] =	stream.linear.scatter [tilespmem:s31], [sflag:$0x1], $0x1000, $0x38;
	[tilespmem:$0x1FE80] =	vst v63  }
0x2b: {  	s9 =	rddreg [dreg:$0x9]  }
0x2c: {  	[spmem:s9] =	stream.linear.scatter [tilespmem:s31], [sflag:$0x1], $0x1000, $0x38;
	[tilespmem:$0x1FE80] =	vst v63  }
0x2d: {  	s10 =	rddreg [dreg:$0xa]  }
0x2e: {  	[spmem:s10] =	stream.linear.scatter [tilespmem:s31], [sflag:$0x1], $0x1000, $0x38;
	[tilespmem:$0x1FE80] =	vst v63  }
0x2f: {  	_ = 	snop  }
0x30: {  	[spmem:s13] =	stream.linear.scatter [tilespmem:s31], [sflag:$0x1], $0x1000, $0x38;
	[tilespmem:$0x1FE80] =	vst v63  }
0x31: {  	_ = 	snop  }
0x32: {  	[spmem:s14] =	stream.linear.scatter [tilespmem:s31], [sflag:$0x1], $0x1000, $0x38;
	[tilespmem:$0x1FE80] =	vst v63  }
0x33: {  	_ = 	snop  }
0x34: {  	[spmem:s15] =	stream.linear.scatter [tilespmem:s31], [sflag:$0x1], $0x1000, $0x38;
	[tilespmem:$0x1FE80] =	vst v63  }
0x35: {  	_ = 	snop  }
0x36: {  	[spmem:s16] =	stream.linear.scatter [tilespmem:s31], [sflag:$0x1], $0x1000, $0x38;
	[tilespmem:$0x1FE80] =	vst v63  }
0x37: {  	_ = 	snop  }
0x38: {  	[spmem:s17] =	stream.linear.scatter [tilespmem:s31], [sflag:$0x1], $0x1000, $0x38;
	[tilespmem:$0x1FE80] =	vst v63  }
0x39: {  	_ = 	snop  }
0x3a: {  	[spmem:s18] =	stream.linear.scatter [tilespmem:s31], [sflag:$0x1], $0x1000, $0x38;
	[tilespmem:$0x1FE80] =	vst v63  }
0x3b: {  	_ = 	snop  }
0x3c: {  	[spmem:s19] =	stream.linear.scatter [tilespmem:s31], [sflag:$0x1], $0x1000, $0x38;
	[tilespmem:$0x1FE80] =	vst v63  }
0x3d: {  	_ = 	snop  }
0x3e: {  	[spmem:s20] =	stream.linear.scatter [tilespmem:s31], [sflag:$0x1], $0x1000, $0x38;
	[tilespmem:$0x1FE80] =	vst v63  }
0x3f: {  	_ = 	snop  }
0x40: {  	[spmem:s21] =	stream.linear.scatter [tilespmem:s31], [sflag:$0x1], $0x1000, $0x38;
	[tilespmem:$0x1FE80] =	vst v63  }
0x41: {  	_ = 	snop  }
0x42: {  	[spmem:s22] =	stream.linear.scatter [tilespmem:s31], [sflag:$0x1], $0x1000, $0x38;
	[tilespmem:$0x1FE80] =	vst v63  }
0x43: {  	_ = 	snop  }
0x44: {  	[spmem:s23] =	stream.linear.scatter [tilespmem:s31], [sflag:$0x1], $0x1000, $0x38;
	[tilespmem:$0x1FE80] =	vst v63  }
0x45: {  	_ = 	snop  }
0x46: {  	[spmem:s24] =	stream.linear.scatter [tilespmem:s31], [sflag:$0x1], $0x1000, $0x38;
	[tilespmem:$0x1FE80] =	vst v63  }
0x47: {  	_ = 	snop  }
0x48: {  	[spmem:s26] =	stream.linear.scatter [tilespmem:s31], [sflag:$0x1], $0x1000, $0x38;
	[tilespmem:$0x1FE80] =	vst v63  }
0x49: {  	_ = 	snop  }
0x4a: {  	[spmem:s28] =	stream.linear.scatter [tilespmem:s31], [sflag:$0x1], $0x1000, $0x38;
	[tilespmem:$0x1FE80] =	vst v63  }
0x4b: {  	_ = 	snop  }
0x4c: {  	[spmem:s29] =	stream.linear.scatter [tilespmem:s31], [sflag:$0x1], $0x1000, $0x38;
	[tilespmem:$0x1FE80] =	vst v63  }
0x4d: {  	_ = 	snop  }
0x4e: {  	[spmem:s30] =	stream.linear.scatter [tilespmem:s31], [sflag:$0x1], $0x1000, $0x38;
	[tilespmem:$0x1FE80] =	vst v63  }
0x4f: {  	s8 =	simm.s32 $0x0;
	s9 =	rddreg [dreg:$0x4]  }
0x50: {  	[tilespmem:s8], [sflag:$0x3] =	stream.linear.gather [hbm4b:s9+s8], $0x2740, $0x38;
	[tilespmem:$0x1FE80] =	vst v63  }
0x51: {  	_ =	swait.ge [sflag:s0], $0x2740  }
0x52: {  	[sflag:s0] =	ssyncset.done $0x0  }
0x53: {  	s9 =	simm.s32 $0x2740;
	s10 =	rddreg [dreg:$0x5];
	[sflag:s0] =	ssyncadd.s32 $0xFFFFD8C0  }
0x54: {  	[tilespmem:s9], [sflag:$0x3] =	stream.linear.gather [hbm4b:s10+s8], $0x2740, $0x38;
	[tilespmem:$0x1FE80] =	vst v63  }
0x55: {  	_ =	swait.ge [sflag:s0], $0x2740  }
0x56: {  	[sflag:s0] =	ssyncset.done $0x0  }
0x57: {  	[sflag:s0] =	ssyncadd.s32 $0xFFFFD8C0  }
0x58: {  	_ =	swait.ge [sflag:s3], $0x1000  }
0x59: {  	[sflag:s3] =	ssyncset.done $0x0  }
0x5a: {  	[sflag:s3] =	ssyncadd.s32 $0xFFFFF000  }
0x5b: {  	_ =	swait.ge [sflag:s3], $0x1000  }
0x5c: {  	[sflag:s3] =	ssyncset.done $0x0  }
0x5d: {  	[sflag:s3] =	ssyncadd.s32 $0xFFFFF000  }
0x5e: {  	_ =	swait.ge [sflag:s3], $0x1000  }
0x5f: {  	[sflag:s3] =	ssyncset.done $0x0  }
0x60: {  	[sflag:s3] =	ssyncadd.s32 $0xFFFFF000  }
0x61: {  	_ =	swait.ge [sflag:s3], $0x1000  }
0x62: {  	[sflag:s3] =	ssyncset.done $0x0  }
0x63: {  	[sflag:s3] =	ssyncadd.s32 $0xFFFFF000  }
0x64: {  	_ =	swait.ge [sflag:s3], $0x1000  }
0x65: {  	[sflag:s3] =	ssyncset.done $0x0  }
0x66: {  	[sflag:s3] =	ssyncadd.s32 $0xFFFFF000  }
0x67: {  	_ =	swait.ge [sflag:s3], $0x1000  }
0x68: {  	[sflag:s3] =	ssyncset.done $0x0  }
0x69: {  	[sflag:s3] =	ssyncadd.s32 $0xFFFFF000  }
0x6a: {  	_ =	swait.ge [sflag:s3], $0x1000  }
0x6b: {  	[sflag:s3] =	ssyncset.done $0x0  }
0x6c: {  	[sflag:s3] =	ssyncadd.s32 $0xFFFFF000  }
0x6d: {  	_ =	swait.ge [sflag:s3], $0x1000  }
0x6e: {  	[sflag:s3] =	ssyncset.done $0x0  }
0x6f: {  	[sflag:s3] =	ssyncadd.s32 $0xFFFFF000  }
0x70: {  	_ =	swait.ge [sflag:s3], $0x1000  }
0x71: {  	[sflag:s3] =	ssyncset.done $0x0  }
0x72: {  	[sflag:s3] =	ssyncadd.s32 $0xFFFFF000  }
0x73: {  	_ =	swait.ge [sflag:s3], $0x1000  }
0x74: {  	[sflag:s3] =	ssyncset.done $0x0  }
0x75: {  	[sflag:s3] =	ssyncadd.s32 $0xFFFFF000  }
0x76: {  	_ =	swait.ge [sflag:s3], $0x1000  }
0x77: {  	[sflag:s3] =	ssyncset.done $0x0  }
0x78: {  	[sflag:s3] =	ssyncadd.s32 $0xFFFFF000  }
0x79: {  	_ =	swait.ge [sflag:s3], $0x1000  }
0x7a: {  	[sflag:s3] =	ssyncset.done $0x0  }
0x7b: {  	[sflag:s3] =	ssyncadd.s32 $0xFFFFF000  }
0x7c: {  	_ =	swait.ge [sflag:s3], $0x1000  }
0x7d: {  	[sflag:s3] =	ssyncset.done $0x0  }
0x7e: {  	[sflag:s3] =	ssyncadd.s32 $0xFFFFF000  }
0x7f: {  	_ =	swait.ge [sflag:s3], $0x1000  }
0x80: {  	[sflag:s3] =	ssyncset.done $0x0  }
0x81: {  	[sflag:s3] =	ssyncadd.s32 $0xFFFFF000  }
0x82: {  	_ =	swait.ge [sflag:s3], $0x1000  }
0x83: {  	[sflag:s3] =	ssyncset.done $0x0  }
0x84: {  	[sflag:s3] =	ssyncadd.s32 $0xFFFFF000  }
0x85: {  	_ =	swait.ge [sflag:s3], $0x1000  }
0x86: {  	[sflag:s3] =	ssyncset.done $0x0  }
0x87: {  	[sflag:s3] =	ssyncadd.s32 $0xFFFFF000  }
0x88: {  	_ =	swait.ge [sflag:s3], $0x1000  }
0x89: {  	[sflag:s3] =	ssyncset.done $0x0  }
0x8a: {  	[sflag:s3] =	ssyncadd.s32 $0xFFFFF000  }
0x8b: {  	_ =	swait.ge [sflag:s3], $0x1000  }
0x8c: {  	[sflag:s3] =	ssyncset.done $0x0  }
0x8d: {  	[sflag:s3] =	ssyncadd.s32 $0xFFFFF000  }
0x8e: {  	_ =	swait.ge [sflag:s3], $0x1000  }
0x8f: {  	[sflag:s3] =	ssyncset.done $0x0  }
0x90: {  	[sflag:s3] =	ssyncadd.s32 $0xFFFFF000  }
0x91: {  	_ =	swait.ge [sflag:s3], $0x1000  }
0x92: {  	[sflag:s3] =	ssyncset.done $0x0  }
0x93: {  	[sflag:s3] =	ssyncadd.s32 $0xFFFFF000  }
0x94: {  	s11 =	simm.s32 $0x4E80;
	[bflag:$0x0] =	sbarrier.arrive $0xFFFF  }
0x95: {  	[tilespmem:s11], [sflag:$0x1] =	stream.indirect.gather [hbm4b:s1+s6], $0x80, s8, s6, $0xb8;
	[tilespmem:$0x1FE80] =	vst v63  }
0x96: {  	s12 =	simm.s32 $0x6E80;
	s10 =	simm.s32 $0x80  }
0x97: {  	[tilespmem:s12], [sflag:$0x1] =	stream.indirect.gather [hbm4b:s1+s6], $0x80, s6, s6, $0xb8;
	[tilespmem:$0x1FE80] =	vst v63  }
.LBB2_4:
0x98: {  	s11 =	smul.u32 $0xAB, s8;
	_ =	sdelay $0x1  }
0x99: {  	s11 =	sshrl.u32 s11, $0x9  }
0x9a: {  	s11 =	sand.u32 $0x7F, s11  }
0x9b: {  	s11 =	smul.u32 $0x3, s11;
	_ =	sdelay $0x1  }
0x9c: {  	s11 =	ssub.s32 s8, s11  }
0x9d: {  	_ =	swait.ge [sflag:s3], $0x2000;
	s11 =	sand.u32 $0xFF, s11  }
0x9e: {  	[sflag:s3] =	ssyncset.done $0x0;
	s11 =	sshll.u32 s11, $0xD  }
0x9f: {  	p0 =	seq.s32 s8, $0x0;
	[sflag:s3] =	ssyncadd.s32 $0xFFFFE000;
	s11 =	sadd.s32 $0x4E80, s11  }
0xa0: {  	[spmem:s2] =	stream.indirect.scatter.add.f32 [tilespmem:s11], [sflag:$0x2], $0x80, s9, s6, $0xb8;
	[tilespmem:$0x1FE80] =	vst v63  }
0xa1: {  	s11 =	simm.s32 @!p0 $0x2  }
0xa2: {  	p1 =	sgt.u32 @!p0 s8, $0x9A;
	_ =	swait.ge @!p0 [sflag:s11], $0x2000  }
0xa3: {  	p1 =	por p0, !p1;
	[sflag:s11] =	ssyncset.done @!p0 $0x0  }
0xa4: {  	[sflag:s11] =	ssyncadd.s32 @!p0 $0xFFFFE000;
	s11 =	sadd.s32 @p1 $0x2, s8  }
0xa5: {  	s12 =	smul.u32 @p1 $0xAB, s11;
	_ =	sdelay $0x1  }
0xa6: {  	s12 =	sshrl.u32 @p1 s12, $0x9  }
0xa7: {  	s12 =	sand.u32 @p1 $0x7F, s12  }
0xa8: {  	s12 =	smul.u32 @p1 $0x3, s12  }
0xa9: {  	s8 =	sadd.s32 $0x1, s8  }
0xaa: {  	p0 =	sne.s32 s8, $0x9D;
	s11 =	ssub.s32 @p1 s11, s12  }
.Ltmp1:
0xab: {  	s11 =	sand.u32 @p1 $0xFF, s11;
	(pc) =	sbr.rel @p0 .LBB2_4-.Ltmp1, $4  }
0xac: {  	s11 =	sshll.u32 @p1 s11, $0xD  }
0xad: {  	s11 =	sadd.s32 @p1 $0x4E80, s11  }
0xae: {  	[tilespmem:s11], [sflag:$0x1] =	stream.indirect.gather @p1 [hbm4b:s1+s6], $0x80, s10, s6, $0xb8;
	[tilespmem:$0x1FE80] =	vst v63  }
0xaf: {  	s9 =	sadd.s32 $0x40, s9;
	s10 =	sadd.s32 $0x40, s10  }
0xb0: {  	_ =	swait.ge [sflag:s7], $0x2000  }
0xb1: {  	[sflag:s7] =	ssyncset.done $0x0  }
0xb2: {  	s8 =	stileid.u32;
	[sflag:s7] =	ssyncadd.s32 $0xFFFFE000  }
0xb3: {  	s8 =	sshll.u32 s8, $0x6;
	[bflag:$0x0] =	sbarrier.arrive $0xFFFF  }
0xb4: {  	s8 =	sor.u32 $0x1C03, s8;
	s9 =	rddreg [dreg:$0x6]  }
0xb5: {  	[hbm:s9], [sflag:s8] =	dma.local [spmem:s25], $0x2800  }
0xb6: {  	_ =	swait.ge [sflag:s0], $0x2800  }
0xb7: {  	s4 =	sadd.s32 $0x1, s4;
	s12 =	rddreg [dreg:$0x7]  }
0xb8: {  	p0 =	sne.s32 s4, s12  }
.Ltmp2:
0xb9: {  	_ = 	snop;
	(pc) =	sbr.rel @p0 .LBB2_1-.Ltmp2, $3  }
0xba: {  	_ =	sdelay $0x1  }
0xbb: {  	[sflag:s0] =	ssyncset.done $0x0  }
0xbc: {  	[sflag:s0] =	ssyncadd.s32 $0xFFFFD800  }
0xbd: {  	_ =	sfence.sel $0x180000  }
0xbe: {  	[bflag:$0x0] =	sbarrier.arrive $0xFFFF  }
0xbf: {  	_ =	strace $0x9000004A  }
0xc0: {  	s0 =	stileid.u32;
	[bflag:$0x2] =	sbarrier.arrive $0xFFFF  }
0xc1: {  	p0 =	sne.s32 s0, $0x0;
	s0 =	rddreg [dreg:$0x3]  }
0xc2: {  	s0 =	sadd.s32 @!p0 $0x100000, s0  }
0xc3: {  	[sflag:s0] =	ssyncadd.tile.s32 @!p0 $0x1;
	_ =	shalt  }
.Lfunc_end2:
_tile_overlayer_lowered:
.L_overlay_start_2:
0xc4: {  	(tag) =	ssettag $0x2  }
0xc5: {  	s0 =	rddreg [dreg:$0x0];
	s2 =	stileid.u32  }
0xc6: {  	s1 =	rddreg [dreg:$0x1];
	p0 =	sne.s32 s2, $0x0  }
0xc7: {  	s3 =	rddreg [dreg:$0x2];
	[bflag:$0x3] =	sbarrier.arrive $0xFFFF;
	s2 =	simm.s32 @!p0 $0x1C03  }
0xc8: {  	[timem:s3], [sflag:s2] =	dma.local @!p0 [hbm:s0], s1  }
0xc9: {  	s0 =	simm.s32 @!p0 $0x3  }
0xca: {  	_ =	swait.ge @!p0 [sflag:s0], s1  }
0xcb: {  	s1 =	ssub.s32 @!p0 $0x0, s1;
	[sflag:s0] =	ssyncset.done @!p0 $0x0  }
0xcc: {  	[sflag:s0] =	ssyncadd.s32 @!p0 s1  }
0xcd: {  	[bflag:$0x3] =	sbarrier.arrive $0xFFFF  }
0xce: {  	_ =	shalt  }

</sc_bundles>
